<compile_context>
chip_gen: v7x
topology: tpu7x:2x2x1
jax: 0.10.2.dev20260603
libtpu: 0.0.44.dev20260713+nightly
codegen_flags: <defaults>
</compile_context>

<pallas_src>
import functools

import jax
import jax.numpy as jnp
from jax import lax
from jax.experimental import pallas as pl
from jax.experimental.pallas import tpu as pltpu
from jax.experimental.pallas import tpu_sc as plsc

VOCAB = 1000000
EMB = 64
B = 32
L = 700
LP = 704
NT = 16
PT = LP // NT
NC = 2
LANES = 16


_mesh = plsc.VectorSubcoreMesh(core_axis_name="c", subcore_axis_name="s")


@functools.partial(
    pl.kernel,
    out_type=jax.ShapeDtypeStruct((B,), jnp.float32),
    mesh=_mesh,
    compiler_params=pltpu.CompilerParams(
        needs_layout_passes=False, use_tc_tiling_on_sc=False),
    scratch_types=[
        pltpu.VMEM((NT, PT), jnp.int32),
        pltpu.VMEM((NT, PT, EMB), jnp.float32),
        pltpu.VMEM((PT, EMB), jnp.float32),
        pltpu.VMEM((LANES,), jnp.float32),
        pltpu.VMEM((LANES,), jnp.float32),
        pltpu.VMEM((LANES,), jnp.float32),
        pltpu.VMEM_SHARED((LANES,), jnp.float32),
        pltpu.SemaphoreType.DMA,
    ],
)
def _lr_sc_kernel(xt_hbm, table_hbm, wt_hbm, b_hbm, out_hbm,
                  idx_v, rows_v, w_v, b_v, pv_v, res_v, acc_sh, sem):
    c = lax.axis_index("c")
    s = lax.axis_index("s")

    pltpu.sync_copy(xt_hbm.at[s, pl.ds(pl.multiple_of(c * NT, NT), NT)], idx_v)

    gathers = [
        pltpu.async_copy(table_hbm.at[idx_v.at[i]], rows_v.at[i], sem)
        for i in range(NT)
    ]

    @pl.when(s == 0)
    def _():
        res_v[:] = jnp.zeros((LANES,), jnp.float32)
        pltpu.sync_copy(res_v, acc_sh)
        pltpu.sync_copy(b_hbm, b_v)

    pltpu.sync_copy(wt_hbm.at[s], w_v)

    for g in gathers:
        g.wait()

    zeros = jnp.zeros((LANES,), jnp.float32)

    def body(lp, accs):
        wk = [w_v[lp, pl.ds(k * LANES, LANES)] for k in range(EMB // LANES)]
        out = []
        for i in range(NT):
            a = accs[i]
            for k in range(EMB // LANES):
                a = a + rows_v[i, lp, pl.ds(k * LANES, LANES)] * wk[k]
            out.append(a)
        return tuple(out)

    accs = lax.fori_loop(0, PT, body, (zeros,) * NT)

    lane = lax.iota(jnp.int32, LANES)
    partials = zeros
    for i in range(NT):
        partials = jnp.where(lane == i, jnp.sum(accs[i]), partials)
    pv_v[:] = partials

    plsc.subcore_barrier()
    pltpu.sync_copy(pv_v, acc_sh.at[lax.iota(jnp.int32, LANES)], add=True)
    plsc.subcore_barrier()

    @pl.when(s == 0)
    def _():
        pltpu.sync_copy(acc_sh, res_v)
        z = res_v[:] + b_v[:]
        res_v[:] = 1.0 / (1.0 + jnp.exp(-z))
        pltpu.sync_copy(res_v, out_hbm.at[pl.ds(pl.multiple_of(c * NT, NT), NT)])


def kernel(x, table, W, b):
    xp = jnp.pad(x, ((0, 0), (0, LP - L)))
    xt = xp.reshape(B, NT, PT).transpose(1, 0, 2)
    wr = W.reshape(L, EMB)
    wt = jnp.pad(wr, ((0, LP - L), (0, 0))).reshape(NT, PT, EMB)
    b16 = jnp.broadcast_to(b, (LANES,)).astype(jnp.float32)
    y = _lr_sc_kernel(xt, table, wt, b16)
    return y.reshape(B, 1)

# --- scband reference (transcript-rebuilt; emitter-appended) ---
"""Pipeline reference for scband-logistic-regression-44281112821849 (READ-ONLY COPY).

The authoritative reference and input builder live on the scoring server;
editing this copy changes nothing except your own understanding.
"""

import jax, jax.numpy as jnp
import numpy as np

VOCAB = 1000000
EMB = 64
B = 32
L = 700

def setup_inputs(seed: int = 0) -> dict:
    key = jax.random.key(seed)
    k1, k2, k3, k4 = jax.random.split(key, 4)
    x = jax.random.randint(k1, (B, L), 0, VOCAB, dtype=jnp.int64 if jax.config.jax_enable_x64 else jnp.int32).astype(jnp.int32)
    table = jax.random.normal(k2, (VOCAB, EMB), dtype=jnp.float32)
    # nn.Linear(emb*700, 1): weight [1, 44800], bias [1]
    fan_in = EMB * L
    bound = 1.0 / np.sqrt(fan_in)
    W = jax.random.uniform(k3, (1, fan_in), dtype=jnp.float32, minval=-bound, maxval=bound)
    b = jax.random.uniform(k4, (1,), dtype=jnp.float32, minval=-bound, maxval=bound)
    return {"x": x, "table": table, "W": W, "b": b}

def reference(x, table, W, b):
    x_embedding = jnp.take(table, x, axis=0)          # [32, 700, 64]
    x_embedding = x_embedding.reshape(B, EMB * L)     # [32, 44800]
    y_pred = jax.nn.sigmoid(x_embedding @ W.T + b)    # [32, 1]
    return y_pred

if __name__ == "__main__":
    import jax
    _d = setup_inputs()
    print(jax.jit(kernel)(*tuple(_d.values())))

</pallas_src>

<mosaic_0001>
#map = affine_map<(d0, d1) -> (0, 0, 0)>
#map1 = affine_map<(d0, d1) -> (0, 0)>
#map2 = affine_map<(d0, d1) -> (0)>
module attributes {stable_mosaic.version = 14 : i64} {
  func.func @_lr_sc_kernel(%arg0: i32, %arg1: i32, %arg2: memref<16x32x44xi32, #tpu.memory_space<hbm>>, %arg3: memref<1000000x64xf32, #tpu.memory_space<hbm>>, %arg4: memref<16x44x64xf32, #tpu.memory_space<hbm>>, %arg5: memref<16xf32, #tpu.memory_space<hbm>>, %arg6: memref<32xf32, #tpu.memory_space<hbm>>, %arg7: memref<16x44xi32, #tpu.memory_space<vmem>>, %arg8: memref<16x44x64xf32, #tpu.memory_space<vmem>>, %arg9: memref<44x64xf32, #tpu.memory_space<vmem>>, %arg10: memref<16xf32, #tpu.memory_space<vmem>>, %arg11: memref<16xf32, #tpu.memory_space<vmem>>, %arg12: memref<16xf32, #tpu.memory_space<vmem>>, %arg13: memref<16xf32, #tpu.memory_space<vmem_shared>>, %arg14: memref<!tpu.dma_semaphore, #tpu.memory_space<semaphore_mem>>) attributes {dimension_semantics = [#tpu.dimension_semantics<core_parallel>, #tpu.dimension_semantics<subcore_parallel>], iteration_bounds = array<i64: 2, 16>, scalar_prefetch = 0 : i64, scratch_operands = 8 : i64, tpu.core_type = #tpu.core_type<sc_vector_subcore>, window_params = [{transform_indices = #map}, {transform_indices = #map1}, {transform_indices = #map}, {transform_indices = #map2}, {transform_indices = #map2}]} {
    %mul3A = arith.constant 16 : i32
    %mul3A_0 = arith.muli %arg0, %mul3A : i32
    %multiple_of3A = tpu.assume_multiple %mul3A_0, 16 : i32
    "tpu.region"() ({
      %run_scoped3A = tpu.sem_alloc : memref<!tpu.dma_semaphore, #tpu.memory_space<semaphore_mem>>
      %dma_start3A_541 = arith.constant 0 : i32
      %dma_start3A_542 = tpu.memref_slice %arg2[%arg1, %multiple_of3A, %dma_start3A_541] : memref<16x32x44xi32, #tpu.memory_space<hbm>> -> memref<1x16x44xi32, #tpu.memory_space<hbm>>
      %dma_start3A_543 = tpu.memref_squeeze %dma_start3A_542 : memref<1x16x44xi32, #tpu.memory_space<hbm>> -> memref<16x44xi32, #tpu.memory_space<hbm>>
      %dma_start3A_544 = arith.constant 0 : i32
      %dma_start3A_545 = tpu.memref_slice %arg2[%arg1, %multiple_of3A, %dma_start3A_544] : memref<16x32x44xi32, #tpu.memory_space<hbm>> -> memref<1x16x44xi32, #tpu.memory_space<hbm>>
      %dma_start3A_546 = tpu.memref_squeeze %dma_start3A_545 : memref<1x16x44xi32, #tpu.memory_space<hbm>> -> memref<16x44xi32, #tpu.memory_space<hbm>>
      tpu.enqueue_dma source(%dma_start3A_546 : memref<16x44xi32, #tpu.memory_space<hbm>>) target(%arg7 : memref<16x44xi32, #tpu.memory_space<vmem>>) target_semaphore(%run_scoped3A : memref<!tpu.dma_semaphore, #tpu.memory_space<semaphore_mem>>)
      %dma_wait3A_547 = arith.constant 0 : i32
      %dma_wait3A_548 = tpu.memref_slice %arg2[%arg1, %multiple_of3A, %dma_wait3A_547] : memref<16x32x44xi32, #tpu.memory_space<hbm>> -> memref<1x16x44xi32, #tpu.memory_space<hbm>>
      %dma_wait3A_549 = tpu.memref_squeeze %dma_wait3A_548 : memref<1x16x44xi32, #tpu.memory_space<hbm>> -> memref<16x44xi32, #tpu.memory_space<hbm>>
      %dma_wait3A_550 = arith.constant 0 : i32
      %dma_wait3A_551 = tpu.memref_slice %arg2[%arg1, %multiple_of3A, %dma_wait3A_550] : memref<16x32x44xi32, #tpu.memory_space<hbm>> -> memref<1x16x44xi32, #tpu.memory_space<hbm>>
      %dma_wait3A_552 = tpu.memref_squeeze %dma_wait3A_551 : memref<1x16x44xi32, #tpu.memory_space<hbm>> -> memref<16x44xi32, #tpu.memory_space<hbm>>
      tpu.wait_dma2 semaphore(%run_scoped3A : memref<!tpu.dma_semaphore, #tpu.memory_space<semaphore_mem>>) src(%dma_wait3A_552 : memref<16x44xi32, #tpu.memory_space<hbm>>) dst(%arg7 : memref<16x44xi32, #tpu.memory_space<vmem>>)
      tpu.yield
    }) : () -> ()
    %dma_start3A = arith.constant 0 : i32
    %dma_start3A_1 = arith.constant 0 : i32
    %dma_start3A_2 = arith.constant 0 : i32
    %dma_start3A_3 = arith.constant 0 : i32
    %dma_start3A_4 = tpu.memref_slice %arg8[%dma_start3A_1, %dma_start3A_2, %dma_start3A_3] : memref<16x44x64xf32, #tpu.memory_space<vmem>> -> memref<1x44x64xf32, #tpu.memory_space<vmem>>
    %dma_start3A_5 = tpu.memref_squeeze %dma_start3A_4 : memref<1x44x64xf32, #tpu.memory_space<vmem>> -> memref<44x64xf32, #tpu.memory_space<vmem>>
    %dma_start3A_6 = arith.constant 0 : i32
    %dma_start3A_7 = tpu.memref_slice %arg7[%dma_start3A, %dma_start3A_6] : memref<16x44xi32, #tpu.memory_space<vmem>> -> memref<1x44xi32, #tpu.memory_space<vmem>>
    %dma_start3A_8 = tpu.memref_squeeze %dma_start3A_7 : memref<1x44xi32, #tpu.memory_space<vmem>> -> memref<44xi32, #tpu.memory_space<vmem>>
    %dma_start3A_9 = arith.constant 0 : i32
    %dma_start3A_10 = arith.constant 0 : i32
    %dma_start3A_11 = tpu.memref_slice %arg3[%dma_start3A_9, %dma_start3A_10] : memref<1000000x64xf32, #tpu.memory_space<hbm>> -> memref<1000000x64xf32, #tpu.memory_space<hbm>>
    tpu.enqueue_indirect_dma source(%dma_start3A_11 : memref<1000000x64xf32, #tpu.memory_space<hbm>>) target(%dma_start3A_5 : memref<44x64xf32, #tpu.memory_space<vmem>>) offsets(%dma_start3A_8 : memref<44xi32, #tpu.memory_space<vmem>>) semaphore(%arg14 : memref<!tpu.dma_semaphore, #tpu.memory_space<semaphore_mem>>)
    %dma_start3A_12 = arith.constant 1 : i32
    %dma_start3A_13 = arith.constant 1 : i32
    %dma_start3A_14 = arith.constant 0 : i32
    %dma_start3A_15 = arith.constant 0 : i32
    %dma_start3A_16 = tpu.memref_slice %arg8[%dma_start3A_13, %dma_start3A_14, %dma_start3A_15] : memref<16x44x64xf32, #tpu.memory_space<vmem>> -> memref<1x44x64xf32, #tpu.memory_space<vmem>>
    %dma_start3A_17 = tpu.memref_squeeze %dma_start3A_16 : memref<1x44x64xf32, #tpu.memory_space<vmem>> -> memref<44x64xf32, #tpu.memory_space<vmem>>
    %dma_start3A_18 = arith.constant 0 : i32
    %dma_start3A_19 = tpu.memref_slice %arg7[%dma_start3A_12, %dma_start3A_18] : memref<16x44xi32, #tpu.memory_space<vmem>> -> memref<1x44xi32, #tpu.memory_space<vmem>>
    %dma_start3A_20 = tpu.memref_squeeze %dma_start3A_19 : memref<1x44xi32, #tpu.memory_space<vmem>> -> memref<44xi32, #tpu.memory_space<vmem>>
    %dma_start3A_21 = arith.constant 0 : i32
    %dma_start3A_22 = arith.constant 0 : i32
    %dma_start3A_23 = tpu.memref_slice %arg3[%dma_start3A_21, %dma_start3A_22] : memref<1000000x64xf32, #tpu.memory_space<hbm>> -> memref<1000000x64xf32, #tpu.memory_space<hbm>>
    tpu.enqueue_indirect_dma source(%dma_start3A_23 : memref<1000000x64xf32, #tpu.memory_space<hbm>>) target(%dma_start3A_17 : memref<44x64xf32, #tpu.memory_space<vmem>>) offsets(%dma_start3A_20 : memref<44xi32, #tpu.memory_space<vmem>>) semaphore(%arg14 : memref<!tpu.dma_semaphore, #tpu.memory_space<semaphore_mem>>)
    %dma_start3A_24 = arith.constant 2 : i32
    %dma_start3A_25 = arith.constant 2 : i32
    %dma_start3A_26 = arith.constant 0 : i32
    %dma_start3A_27 = arith.constant 0 : i32
    %dma_start3A_28 = tpu.memref_slice %arg8[%dma_start3A_25, %dma_start3A_26, %dma_start3A_27] : memref<16x44x64xf32, #tpu.memory_space<vmem>> -> memref<1x44x64xf32, #tpu.memory_space<vmem>>
    %dma_start3A_29 = tpu.memref_squeeze %dma_start3A_28 : memref<1x44x64xf32, #tpu.memory_space<vmem>> -> memref<44x64xf32, #tpu.memory_space<vmem>>
    %dma_start3A_30 = arith.constant 0 : i32
    %dma_start3A_31 = tpu.memref_slice %arg7[%dma_start3A_24, %dma_start3A_30] : memref<16x44xi32, #tpu.memory_space<vmem>> -> memref<1x44xi32, #tpu.memory_space<vmem>>
    %dma_start3A_32 = tpu.memref_squeeze %dma_start3A_31 : memref<1x44xi32, #tpu.memory_space<vmem>> -> memref<44xi32, #tpu.memory_space<vmem>>
    %dma_start3A_33 = arith.constant 0 : i32
    %dma_start3A_34 = arith.constant 0 : i32
    %dma_start3A_35 = tpu.memref_slice %arg3[%dma_start3A_33, %dma_start3A_34] : memref<1000000x64xf32, #tpu.memory_space<hbm>> -> memref<1000000x64xf32, #tpu.memory_space<hbm>>
    tpu.enqueue_indirect_dma source(%dma_start3A_35 : memref<1000000x64xf32, #tpu.memory_space<hbm>>) target(%dma_start3A_29 : memref<44x64xf32, #tpu.memory_space<vmem>>) offsets(%dma_start3A_32 : memref<44xi32, #tpu.memory_space<vmem>>) semaphore(%arg14 : memref<!tpu.dma_semaphore, #tpu.memory_space<semaphore_mem>>)
    %dma_start3A_36 = arith.constant 3 : i32
    %dma_start3A_37 = arith.constant 3 : i32
    %dma_start3A_38 = arith.constant 0 : i32
    %dma_start3A_39 = arith.constant 0 : i32
    %dma_start3A_40 = tpu.memref_slice %arg8[%dma_start3A_37, %dma_start3A_38, %dma_start3A_39] : memref<16x44x64xf32, #tpu.memory_space<vmem>> -> memref<1x44x64xf32, #tpu.memory_space<vmem>>
    %dma_start3A_41 = tpu.memref_squeeze %dma_start3A_40 : memref<1x44x64xf32, #tpu.memory_space<vmem>> -> memref<44x64xf32, #tpu.memory_space<vmem>>
    %dma_start3A_42 = arith.constant 0 : i32
    %dma_start3A_43 = tpu.memref_slice %arg7[%dma_start3A_36, %dma_start3A_42] : memref<16x44xi32, #tpu.memory_space<vmem>> -> memref<1x44xi32, #tpu.memory_space<vmem>>
    %dma_start3A_44 = tpu.memref_squeeze %dma_start3A_43 : memref<1x44xi32, #tpu.memory_space<vmem>> -> memref<44xi32, #tpu.memory_space<vmem>>
    %dma_start3A_45 = arith.constant 0 : i32
    %dma_start3A_46 = arith.constant 0 : i32
    %dma_start3A_47 = tpu.memref_slice %arg3[%dma_start3A_45, %dma_start3A_46] : memref<1000000x64xf32, #tpu.memory_space<hbm>> -> memref<1000000x64xf32, #tpu.memory_space<hbm>>
    tpu.enqueue_indirect_dma source(%dma_start3A_47 : memref<1000000x64xf32, #tpu.memory_space<hbm>>) target(%dma_start3A_41 : memref<44x64xf32, #tpu.memory_space<vmem>>) offsets(%dma_start3A_44 : memref<44xi32, #tpu.memory_space<vmem>>) semaphore(%arg14 : memref<!tpu.dma_semaphore, #tpu.memory_space<semaphore_mem>>)
    %dma_start3A_48 = arith.constant 4 : i32
    %dma_start3A_49 = arith.constant 4 : i32
    %dma_start3A_50 = arith.constant 0 : i32
    %dma_start3A_51 = arith.constant 0 : i32
    %dma_start3A_52 = tpu.memref_slice %arg8[%dma_start3A_49, %dma_start3A_50, %dma_start3A_51] : memref<16x44x64xf32, #tpu.memory_space<vmem>> -> memref<1x44x64xf32, #tpu.memory_space<vmem>>
    %dma_start3A_53 = tpu.memref_squeeze %dma_start3A_52 : memref<1x44x64xf32, #tpu.memory_space<vmem>> -> memref<44x64xf32, #tpu.memory_space<vmem>>
    %dma_start3A_54 = arith.constant 0 : i32
    %dma_start3A_55 = tpu.memref_slice %arg7[%dma_start3A_48, %dma_start3A_54] : memref<16x44xi32, #tpu.memory_space<vmem>> -> memref<1x44xi32, #tpu.memory_space<vmem>>
    %dma_start3A_56 = tpu.memref_squeeze %dma_start3A_55 : memref<1x44xi32, #tpu.memory_space<vmem>> -> memref<44xi32, #tpu.memory_space<vmem>>
    %dma_start3A_57 = arith.constant 0 : i32
    %dma_start3A_58 = arith.constant 0 : i32
    %dma_start3A_59 = tpu.memref_slice %arg3[%dma_start3A_57, %dma_start3A_58] : memref<1000000x64xf32, #tpu.memory_space<hbm>> -> memref<1000000x64xf32, #tpu.memory_space<hbm>>
    tpu.enqueue_indirect_dma source(%dma_start3A_59 : memref<1000000x64xf32, #tpu.memory_space<hbm>>) target(%dma_start3A_53 : memref<44x64xf32, #tpu.memory_space<vmem>>) offsets(%dma_start3A_56 : memref<44xi32, #tpu.memory_space<vmem>>) semaphore(%arg14 : memref<!tpu.dma_semaphore, #tpu.memory_space<semaphore_mem>>)
    %dma_start3A_60 = arith.constant 5 : i32
    %dma_start3A_61 = arith.constant 5 : i32
    %dma_start3A_62 = arith.constant 0 : i32
    %dma_start3A_63 = arith.constant 0 : i32
    %dma_start3A_64 = tpu.memref_slice %arg8[%dma_start3A_61, %dma_start3A_62, %dma_start3A_63] : memref<16x44x64xf32, #tpu.memory_space<vmem>> -> memref<1x44x64xf32, #tpu.memory_space<vmem>>
    %dma_start3A_65 = tpu.memref_squeeze %dma_start3A_64 : memref<1x44x64xf32, #tpu.memory_space<vmem>> -> memref<44x64xf32, #tpu.memory_space<vmem>>
    %dma_start3A_66 = arith.constant 0 : i32
    %dma_start3A_67 = tpu.memref_slice %arg7[%dma_start3A_60, %dma_start3A_66] : memref<16x44xi32, #tpu.memory_space<vmem>> -> memref<1x44xi32, #tpu.memory_space<vmem>>
    %dma_start3A_68 = tpu.memref_squeeze %dma_start3A_67 : memref<1x44xi32, #tpu.memory_space<vmem>> -> memref<44xi32, #tpu.memory_space<vmem>>
    %dma_start3A_69 = arith.constant 0 : i32
    %dma_start3A_70 = arith.constant 0 : i32
    %dma_start3A_71 = tpu.memref_slice %arg3[%dma_start3A_69, %dma_start3A_70] : memref<1000000x64xf32, #tpu.memory_space<hbm>> -> memref<1000000x64xf32, #tpu.memory_space<hbm>>
    tpu.enqueue_indirect_dma source(%dma_start3A_71 : memref<1000000x64xf32, #tpu.memory_space<hbm>>) target(%dma_start3A_65 : memref<44x64xf32, #tpu.memory_space<vmem>>) offsets(%dma_start3A_68 : memref<44xi32, #tpu.memory_space<vmem>>) semaphore(%arg14 : memref<!tpu.dma_semaphore, #tpu.memory_space<semaphore_mem>>)
    %dma_start3A_72 = arith.constant 6 : i32
    %dma_start3A_73 = arith.constant 6 : i32
    %dma_start3A_74 = arith.constant 0 : i32
    %dma_start3A_75 = arith.constant 0 : i32
    %dma_start3A_76 = tpu.memref_slice %arg8[%dma_start3A_73, %dma_start3A_74, %dma_start3A_75] : memref<16x44x64xf32, #tpu.memory_space<vmem>> -> memref<1x44x64xf32, #tpu.memory_space<vmem>>
    %dma_start3A_77 = tpu.memref_squeeze %dma_start3A_76 : memref<1x44x64xf32, #tpu.memory_space<vmem>> -> memref<44x64xf32, #tpu.memory_space<vmem>>
    %dma_start3A_78 = arith.constant 0 : i32
    %dma_start3A_79 = tpu.memref_slice %arg7[%dma_start3A_72, %dma_start3A_78] : memref<16x44xi32, #tpu.memory_space<vmem>> -> memref<1x44xi32, #tpu.memory_space<vmem>>
    %dma_start3A_80 = tpu.memref_squeeze %dma_start3A_79 : memref<1x44xi32, #tpu.memory_space<vmem>> -> memref<44xi32, #tpu.memory_space<vmem>>
    %dma_start3A_81 = arith.constant 0 : i32
    %dma_start3A_82 = arith.constant 0 : i32
    %dma_start3A_83 = tpu.memref_slice %arg3[%dma_start3A_81, %dma_start3A_82] : memref<1000000x64xf32, #tpu.memory_space<hbm>> -> memref<1000000x64xf32, #tpu.memory_space<hbm>>
    tpu.enqueue_indirect_dma source(%dma_start3A_83 : memref<1000000x64xf32, #tpu.memory_space<hbm>>) target(%dma_start3A_77 : memref<44x64xf32, #tpu.memory_space<vmem>>) offsets(%dma_start3A_80 : memref<44xi32, #tpu.memory_space<vmem>>) semaphore(%arg14 : memref<!tpu.dma_semaphore, #tpu.memory_space<semaphore_mem>>)
    %dma_start3A_84 = arith.constant 7 : i32
    %dma_start3A_85 = arith.constant 7 : i32
    %dma_start3A_86 = arith.constant 0 : i32
    %dma_start3A_87 = arith.constant 0 : i32
    %dma_start3A_88 = tpu.memref_slice %arg8[%dma_start3A_85, %dma_start3A_86, %dma_start3A_87] : memref<16x44x64xf32, #tpu.memory_space<vmem>> -> memref<1x44x64xf32, #tpu.memory_space<vmem>>
    %dma_start3A_89 = tpu.memref_squeeze %dma_start3A_88 : memref<1x44x64xf32, #tpu.memory_space<vmem>> -> memref<44x64xf32, #tpu.memory_space<vmem>>
    %dma_start3A_90 = arith.constant 0 : i32
    %dma_start3A_91 = tpu.memref_slice %arg7[%dma_start3A_84, %dma_start3A_90] : memref<16x44xi32, #tpu.memory_space<vmem>> -> memref<1x44xi32, #tpu.memory_space<vmem>>
    %dma_start3A_92 = tpu.memref_squeeze %dma_start3A_91 : memref<1x44xi32, #tpu.memory_space<vmem>> -> memref<44xi32, #tpu.memory_space<vmem>>
    %dma_start3A_93 = arith.constant 0 : i32
    %dma_start3A_94 = arith.constant 0 : i32
    %dma_start3A_95 = tpu.memref_slice %arg3[%dma_start3A_93, %dma_start3A_94] : memref<1000000x64xf32, #tpu.memory_space<hbm>> -> memref<1000000x64xf32, #tpu.memory_space<hbm>>
    tpu.enqueue_indirect_dma source(%dma_start3A_95 : memref<1000000x64xf32, #tpu.memory_space<hbm>>) target(%dma_start3A_89 : memref<44x64xf32, #tpu.memory_space<vmem>>) offsets(%dma_start3A_92 : memref<44xi32, #tpu.memory_space<vmem>>) semaphore(%arg14 : memref<!tpu.dma_semaphore, #tpu.memory_space<semaphore_mem>>)
    %dma_start3A_96 = arith.constant 8 : i32
    %dma_start3A_97 = arith.constant 8 : i32
    %dma_start3A_98 = arith.constant 0 : i32
    %dma_start3A_99 = arith.constant 0 : i32
    %dma_start3A_100 = tpu.memref_slice %arg8[%dma_start3A_97, %dma_start3A_98, %dma_start3A_99] : memref<16x44x64xf32, #tpu.memory_space<vmem>> -> memref<1x44x64xf32, #tpu.memory_space<vmem>>
    %dma_start3A_101 = tpu.memref_squeeze %dma_start3A_100 : memref<1x44x64xf32, #tpu.memory_space<vmem>> -> memref<44x64xf32, #tpu.memory_space<vmem>>
    %dma_start3A_102 = arith.constant 0 : i32
    %dma_start3A_103 = tpu.memref_slice %arg7[%dma_start3A_96, %dma_start3A_102] : memref<16x44xi32, #tpu.memory_space<vmem>> -> memref<1x44xi32, #tpu.memory_space<vmem>>
    %dma_start3A_104 = tpu.memref_squeeze %dma_start3A_103 : memref<1x44xi32, #tpu.memory_space<vmem>> -> memref<44xi32, #tpu.memory_space<vmem>>
    %dma_start3A_105 = arith.constant 0 : i32
    %dma_start3A_106 = arith.constant 0 : i32
    %dma_start3A_107 = tpu.memref_slice %arg3[%dma_start3A_105, %dma_start3A_106] : memref<1000000x64xf32, #tpu.memory_space<hbm>> -> memref<1000000x64xf32, #tpu.memory_space<hbm>>
    tpu.enqueue_indirect_dma source(%dma_start3A_107 : memref<1000000x64xf32, #tpu.memory_space<hbm>>) target(%dma_start3A_101 : memref<44x64xf32, #tpu.memory_space<vmem>>) offsets(%dma_start3A_104 : memref<44xi32, #tpu.memory_space<vmem>>) semaphore(%arg14 : memref<!tpu.dma_semaphore, #tpu.memory_space<semaphore_mem>>)
    %dma_start3A_108 = arith.constant 9 : i32
    %dma_start3A_109 = arith.constant 9 : i32
    %dma_start3A_110 = arith.constant 0 : i32
    %dma_start3A_111 = arith.constant 0 : i32
    %dma_start3A_112 = tpu.memref_slice %arg8[%dma_start3A_109, %dma_start3A_110, %dma_start3A_111] : memref<16x44x64xf32, #tpu.memory_space<vmem>> -> memref<1x44x64xf32, #tpu.memory_space<vmem>>
    %dma_start3A_113 = tpu.memref_squeeze %dma_start3A_112 : memref<1x44x64xf32, #tpu.memory_space<vmem>> -> memref<44x64xf32, #tpu.memory_space<vmem>>
    %dma_start3A_114 = arith.constant 0 : i32
    %dma_start3A_115 = tpu.memref_slice %arg7[%dma_start3A_108, %dma_start3A_114] : memref<16x44xi32, #tpu.memory_space<vmem>> -> memref<1x44xi32, #tpu.memory_space<vmem>>
    %dma_start3A_116 = tpu.memref_squeeze %dma_start3A_115 : memref<1x44xi32, #tpu.memory_space<vmem>> -> memref<44xi32, #tpu.memory_space<vmem>>
    %dma_start3A_117 = arith.constant 0 : i32
    %dma_start3A_118 = arith.constant 0 : i32
    %dma_start3A_119 = tpu.memref_slice %arg3[%dma_start3A_117, %dma_start3A_118] : memref<1000000x64xf32, #tpu.memory_space<hbm>> -> memref<1000000x64xf32, #tpu.memory_space<hbm>>
    tpu.enqueue_indirect_dma source(%dma_start3A_119 : memref<1000000x64xf32, #tpu.memory_space<hbm>>) target(%dma_start3A_113 : memref<44x64xf32, #tpu.memory_space<vmem>>) offsets(%dma_start3A_116 : memref<44xi32, #tpu.memory_space<vmem>>) semaphore(%arg14 : memref<!tpu.dma_semaphore, #tpu.memory_space<semaphore_mem>>)
    %dma_start3A_120 = arith.constant 10 : i32
    %dma_start3A_121 = arith.constant 10 : i32
    %dma_start3A_122 = arith.constant 0 : i32
    %dma_start3A_123 = arith.constant 0 : i32
    %dma_start3A_124 = tpu.memref_slice %arg8[%dma_start3A_121, %dma_start3A_122, %dma_start3A_123] : memref<16x44x64xf32, #tpu.memory_space<vmem>> -> memref<1x44x64xf32, #tpu.memory_space<vmem>>
    %dma_start3A_125 = tpu.memref_squeeze %dma_start3A_124 : memref<1x44x64xf32, #tpu.memory_space<vmem>> -> memref<44x64xf32, #tpu.memory_space<vmem>>
    %dma_start3A_126 = arith.constant 0 : i32
    %dma_start3A_127 = tpu.memref_slice %arg7[%dma_start3A_120, %dma_start3A_126] : memref<16x44xi32, #tpu.memory_space<vmem>> -> memref<1x44xi32, #tpu.memory_space<vmem>>
    %dma_start3A_128 = tpu.memref_squeeze %dma_start3A_127 : memref<1x44xi32, #tpu.memory_space<vmem>> -> memref<44xi32, #tpu.memory_space<vmem>>
    %dma_start3A_129 = arith.constant 0 : i32
    %dma_start3A_130 = arith.constant 0 : i32
    %dma_start3A_131 = tpu.memref_slice %arg3[%dma_start3A_129, %dma_start3A_130] : memref<1000000x64xf32, #tpu.memory_space<hbm>> -> memref<1000000x64xf32, #tpu.memory_space<hbm>>
    tpu.enqueue_indirect_dma source(%dma_start3A_131 : memref<1000000x64xf32, #tpu.memory_space<hbm>>) target(%dma_start3A_125 : memref<44x64xf32, #tpu.memory_space<vmem>>) offsets(%dma_start3A_128 : memref<44xi32, #tpu.memory_space<vmem>>) semaphore(%arg14 : memref<!tpu.dma_semaphore, #tpu.memory_space<semaphore_mem>>)
    %dma_start3A_132 = arith.constant 11 : i32
    %dma_start3A_133 = arith.constant 11 : i32
    %dma_start3A_134 = arith.constant 0 : i32
    %dma_start3A_135 = arith.constant 0 : i32
    %dma_start3A_136 = tpu.memref_slice %arg8[%dma_start3A_133, %dma_start3A_134, %dma_start3A_135] : memref<16x44x64xf32, #tpu.memory_space<vmem>> -> memref<1x44x64xf32, #tpu.memory_space<vmem>>
    %dma_start3A_137 = tpu.memref_squeeze %dma_start3A_136 : memref<1x44x64xf32, #tpu.memory_space<vmem>> -> memref<44x64xf32, #tpu.memory_space<vmem>>
    %dma_start3A_138 = arith.constant 0 : i32
    %dma_start3A_139 = tpu.memref_slice %arg7[%dma_start3A_132, %dma_start3A_138] : memref<16x44xi32, #tpu.memory_space<vmem>> -> memref<1x44xi32, #tpu.memory_space<vmem>>
    %dma_start3A_140 = tpu.memref_squeeze %dma_start3A_139 : memref<1x44xi32, #tpu.memory_space<vmem>> -> memref<44xi32, #tpu.memory_space<vmem>>
    %dma_start3A_141 = arith.constant 0 : i32
    %dma_start3A_142 = arith.constant 0 : i32
    %dma_start3A_143 = tpu.memref_slice %arg3[%dma_start3A_141, %dma_start3A_142] : memref<1000000x64xf32, #tpu.memory_space<hbm>> -> memref<1000000x64xf32, #tpu.memory_space<hbm>>
    tpu.enqueue_indirect_dma source(%dma_start3A_143 : memref<1000000x64xf32, #tpu.memory_space<hbm>>) target(%dma_start3A_137 : memref<44x64xf32, #tpu.memory_space<vmem>>) offsets(%dma_start3A_140 : memref<44xi32, #tpu.memory_space<vmem>>) semaphore(%arg14 : memref<!tpu.dma_semaphore, #tpu.memory_space<semaphore_mem>>)
    %dma_start3A_144 = arith.constant 12 : i32
    %dma_start3A_145 = arith.constant 12 : i32
    %dma_start3A_146 = arith.constant 0 : i32
    %dma_start3A_147 = arith.constant 0 : i32
    %dma_start3A_148 = tpu.memref_slice %arg8[%dma_start3A_145, %dma_start3A_146, %dma_start3A_147] : memref<16x44x64xf32, #tpu.memory_space<vmem>> -> memref<1x44x64xf32, #tpu.memory_space<vmem>>
    %dma_start3A_149 = tpu.memref_squeeze %dma_start3A_148 : memref<1x44x64xf32, #tpu.memory_space<vmem>> -> memref<44x64xf32, #tpu.memory_space<vmem>>
    %dma_start3A_150 = arith.constant 0 : i32
    %dma_start3A_151 = tpu.memref_slice %arg7[%dma_start3A_144, %dma_start3A_150] : memref<16x44xi32, #tpu.memory_space<vmem>> -> memref<1x44xi32, #tpu.memory_space<vmem>>
    %dma_start3A_152 = tpu.memref_squeeze %dma_start3A_151 : memref<1x44xi32, #tpu.memory_space<vmem>> -> memref<44xi32, #tpu.memory_space<vmem>>
    %dma_start3A_153 = arith.constant 0 : i32
    %dma_start3A_154 = arith.constant 0 : i32
    %dma_start3A_155 = tpu.memref_slice %arg3[%dma_start3A_153, %dma_start3A_154] : memref<1000000x64xf32, #tpu.memory_space<hbm>> -> memref<1000000x64xf32, #tpu.memory_space<hbm>>
    tpu.enqueue_indirect_dma source(%dma_start3A_155 : memref<1000000x64xf32, #tpu.memory_space<hbm>>) target(%dma_start3A_149 : memref<44x64xf32, #tpu.memory_space<vmem>>) offsets(%dma_start3A_152 : memref<44xi32, #tpu.memory_space<vmem>>) semaphore(%arg14 : memref<!tpu.dma_semaphore, #tpu.memory_space<semaphore_mem>>)
    %dma_start3A_156 = arith.constant 13 : i32
    %dma_start3A_157 = arith.constant 13 : i32
    %dma_start3A_158 = arith.constant 0 : i32
    %dma_start3A_159 = arith.constant 0 : i32
    %dma_start3A_160 = tpu.memref_slice %arg8[%dma_start3A_157, %dma_start3A_158, %dma_start3A_159] : memref<16x44x64xf32, #tpu.memory_space<vmem>> -> memref<1x44x64xf32, #tpu.memory_space<vmem>>
    %dma_start3A_161 = tpu.memref_squeeze %dma_start3A_160 : memref<1x44x64xf32, #tpu.memory_space<vmem>> -> memref<44x64xf32, #tpu.memory_space<vmem>>
    %dma_start3A_162 = arith.constant 0 : i32
    %dma_start3A_163 = tpu.memref_slice %arg7[%dma_start3A_156, %dma_start3A_162] : memref<16x44xi32, #tpu.memory_space<vmem>> -> memref<1x44xi32, #tpu.memory_space<vmem>>
    %dma_start3A_164 = tpu.memref_squeeze %dma_start3A_163 : memref<1x44xi32, #tpu.memory_space<vmem>> -> memref<44xi32, #tpu.memory_space<vmem>>
    %dma_start3A_165 = arith.constant 0 : i32
    %dma_start3A_166 = arith.constant 0 : i32
    %dma_start3A_167 = tpu.memref_slice %arg3[%dma_start3A_165, %dma_start3A_166] : memref<1000000x64xf32, #tpu.memory_space<hbm>> -> memref<1000000x64xf32, #tpu.memory_space<hbm>>
    tpu.enqueue_indirect_dma source(%dma_start3A_167 : memref<1000000x64xf32, #tpu.memory_space<hbm>>) target(%dma_start3A_161 : memref<44x64xf32, #tpu.memory_space<vmem>>) offsets(%dma_start3A_164 : memref<44xi32, #tpu.memory_space<vmem>>) semaphore(%arg14 : memref<!tpu.dma_semaphore, #tpu.memory_space<semaphore_mem>>)
    %dma_start3A_168 = arith.constant 14 : i32
    %dma_start3A_169 = arith.constant 14 : i32
    %dma_start3A_170 = arith.constant 0 : i32
    %dma_start3A_171 = arith.constant 0 : i32
    %dma_start3A_172 = tpu.memref_slice %arg8[%dma_start3A_169, %dma_start3A_170, %dma_start3A_171] : memref<16x44x64xf32, #tpu.memory_space<vmem>> -> memref<1x44x64xf32, #tpu.memory_space<vmem>>
    %dma_start3A_173 = tpu.memref_squeeze %dma_start3A_172 : memref<1x44x64xf32, #tpu.memory_space<vmem>> -> memref<44x64xf32, #tpu.memory_space<vmem>>
    %dma_start3A_174 = arith.constant 0 : i32
    %dma_start3A_175 = tpu.memref_slice %arg7[%dma_start3A_168, %dma_start3A_174] : memref<16x44xi32, #tpu.memory_space<vmem>> -> memref<1x44xi32, #tpu.memory_space<vmem>>
    %dma_start3A_176 = tpu.memref_squeeze %dma_start3A_175 : memref<1x44xi32, #tpu.memory_space<vmem>> -> memref<44xi32, #tpu.memory_space<vmem>>
    %dma_start3A_177 = arith.constant 0 : i32
    %dma_start3A_178 = arith.constant 0 : i32
    %dma_start3A_179 = tpu.memref_slice %arg3[%dma_start3A_177, %dma_start3A_178] : memref<1000000x64xf32, #tpu.memory_space<hbm>> -> memref<1000000x64xf32, #tpu.memory_space<hbm>>
    tpu.enqueue_indirect_dma source(%dma_start3A_179 : memref<1000000x64xf32, #tpu.memory_space<hbm>>) target(%dma_start3A_173 : memref<44x64xf32, #tpu.memory_space<vmem>>) offsets(%dma_start3A_176 : memref<44xi32, #tpu.memory_space<vmem>>) semaphore(%arg14 : memref<!tpu.dma_semaphore, #tpu.memory_space<semaphore_mem>>)
    %dma_start3A_180 = arith.constant 15 : i32
    %dma_start3A_181 = arith.constant 15 : i32
    %dma_start3A_182 = arith.constant 0 : i32
    %dma_start3A_183 = arith.constant 0 : i32
    %dma_start3A_184 = tpu.memref_slice %arg8[%dma_start3A_181, %dma_start3A_182, %dma_start3A_183] : memref<16x44x64xf32, #tpu.memory_space<vmem>> -> memref<1x44x64xf32, #tpu.memory_space<vmem>>
    %dma_start3A_185 = tpu.memref_squeeze %dma_start3A_184 : memref<1x44x64xf32, #tpu.memory_space<vmem>> -> memref<44x64xf32, #tpu.memory_space<vmem>>
    %dma_start3A_186 = arith.constant 0 : i32
    %dma_start3A_187 = tpu.memref_slice %arg7[%dma_start3A_180, %dma_start3A_186] : memref<16x44xi32, #tpu.memory_space<vmem>> -> memref<1x44xi32, #tpu.memory_space<vmem>>
    %dma_start3A_188 = tpu.memref_squeeze %dma_start3A_187 : memref<1x44xi32, #tpu.memory_space<vmem>> -> memref<44xi32, #tpu.memory_space<vmem>>
    %dma_start3A_189 = arith.constant 0 : i32
    %dma_start3A_190 = arith.constant 0 : i32
    %dma_start3A_191 = tpu.memref_slice %arg3[%dma_start3A_189, %dma_start3A_190] : memref<1000000x64xf32, #tpu.memory_space<hbm>> -> memref<1000000x64xf32, #tpu.memory_space<hbm>>
    tpu.enqueue_indirect_dma source(%dma_start3A_191 : memref<1000000x64xf32, #tpu.memory_space<hbm>>) target(%dma_start3A_185 : memref<44x64xf32, #tpu.memory_space<vmem>>) offsets(%dma_start3A_188 : memref<44xi32, #tpu.memory_space<vmem>>) semaphore(%arg14 : memref<!tpu.dma_semaphore, #tpu.memory_space<semaphore_mem>>)
    %eq3A = arith.constant 0 : i32
    %eq3A_192 = arith.cmpi eq, %arg1, %eq3A : i32
    %convert_element_type3A = arith.extui %eq3A_192 : i1 to i32
    %cond3A = arith.constant 0 : i32
    %cond3A_193 = arith.cmpi ne, %convert_element_type3A, %cond3A : i32
    scf.if %cond3A_193 {
      %broadcast_in_dim3A_541 = arith.constant 0.000000e+00 : f32
      %broadcast_in_dim3A_542 = vector.broadcast %broadcast_in_dim3A_541 : f32 to vector<16xf32>
      %swap3A_543 = arith.constant 0 : index
      %swap3A_544 = tpu.vector_load %arg12[%swap3A_543] {strides = array<i32>} : memref<16xf32, #tpu.memory_space<vmem>>, vector<16xf32>,
      tpu.vector_store %arg12[%swap3A_543], %broadcast_in_dim3A_542 {strides = array<i32>} : memref<16xf32, #tpu.memory_space<vmem>>, vector<16xf32>,
      "tpu.region"() ({
        %run_scoped3A = tpu.sem_alloc : memref<!tpu.dma_semaphore, #tpu.memory_space<semaphore_mem>>
        tpu.enqueue_dma source(%arg12 : memref<16xf32, #tpu.memory_space<vmem>>) target(%arg13 : memref<16xf32, #tpu.memory_space<vmem_shared>>) target_semaphore(%run_scoped3A : memref<!tpu.dma_semaphore, #tpu.memory_space<semaphore_mem>>)
        tpu.wait_dma2 semaphore(%run_scoped3A : memref<!tpu.dma_semaphore, #tpu.memory_space<semaphore_mem>>) src(%arg12 : memref<16xf32, #tpu.memory_space<vmem>>) dst(%arg13 : memref<16xf32, #tpu.memory_space<vmem_shared>>)
        tpu.yield
      }) : () -> ()
      "tpu.region"() ({
        %run_scoped3A = tpu.sem_alloc : memref<!tpu.dma_semaphore, #tpu.memory_space<semaphore_mem>>
        tpu.enqueue_dma source(%arg5 : memref<16xf32, #tpu.memory_space<hbm>>) target(%arg10 : memref<16xf32, #tpu.memory_space<vmem>>) target_semaphore(%run_scoped3A : memref<!tpu.dma_semaphore, #tpu.memory_space<semaphore_mem>>)
        tpu.wait_dma2 semaphore(%run_scoped3A : memref<!tpu.dma_semaphore, #tpu.memory_space<semaphore_mem>>) src(%arg5 : memref<16xf32, #tpu.memory_space<hbm>>) dst(%arg10 : memref<16xf32, #tpu.memory_space<vmem>>)
        tpu.yield
      }) : () -> ()
    } else {
    }
    "tpu.region"() ({
      %run_scoped3A = tpu.sem_alloc : memref<!tpu.dma_semaphore, #tpu.memory_space<semaphore_mem>>
      %dma_start3A_541 = arith.constant 0 : i32
      %dma_start3A_542 = arith.constant 0 : i32
      %dma_start3A_543 = tpu.memref_slice %arg4[%arg1, %dma_start3A_541, %dma_start3A_542] : memref<16x44x64xf32, #tpu.memory_space<hbm>> -> memref<1x44x64xf32, #tpu.memory_space<hbm>>
      %dma_start3A_544 = tpu.memref_squeeze %dma_start3A_543 : memref<1x44x64xf32, #tpu.memory_space<hbm>> -> memref<44x64xf32, #tpu.memory_space<hbm>>
      %dma_start3A_545 = arith.constant 0 : i32
      %dma_start3A_546 = arith.constant 0 : i32
      %dma_start3A_547 = tpu.memref_slice %arg4[%arg1, %dma_start3A_545, %dma_start3A_546] : memref<16x44x64xf32, #tpu.memory_space<hbm>> -> memref<1x44x64xf32, #tpu.memory_space<hbm>>
      %dma_start3A_548 = tpu.memref_squeeze %dma_start3A_547 : memref<1x44x64xf32, #tpu.memory_space<hbm>> -> memref<44x64xf32, #tpu.memory_space<hbm>>
      tpu.enqueue_dma source(%dma_start3A_548 : memref<44x64xf32, #tpu.memory_space<hbm>>) target(%arg9 : memref<44x64xf32, #tpu.memory_space<vmem>>) target_semaphore(%run_scoped3A : memref<!tpu.dma_semaphore, #tpu.memory_space<semaphore_mem>>)
      %dma_wait3A_549 = arith.constant 0 : i32
      %dma_wait3A_550 = arith.constant 0 : i32
      %dma_wait3A_551 = tpu.memref_slice %arg4[%arg1, %dma_wait3A_549, %dma_wait3A_550] : memref<16x44x64xf32, #tpu.memory_space<hbm>> -> memref<1x44x64xf32, #tpu.memory_space<hbm>>
      %dma_wait3A_552 = tpu.memref_squeeze %dma_wait3A_551 : memref<1x44x64xf32, #tpu.memory_space<hbm>> -> memref<44x64xf32, #tpu.memory_space<hbm>>
      %dma_wait3A_553 = arith.constant 0 : i32
      %dma_wait3A_554 = arith.constant 0 : i32
      %dma_wait3A_555 = tpu.memref_slice %arg4[%arg1, %dma_wait3A_553, %dma_wait3A_554] : memref<16x44x64xf32, #tpu.memory_space<hbm>> -> memref<1x44x64xf32, #tpu.memory_space<hbm>>
      %dma_wait3A_556 = tpu.memref_squeeze %dma_wait3A_555 : memref<1x44x64xf32, #tpu.memory_space<hbm>> -> memref<44x64xf32, #tpu.memory_space<hbm>>
      tpu.wait_dma2 semaphore(%run_scoped3A : memref<!tpu.dma_semaphore, #tpu.memory_space<semaphore_mem>>) src(%dma_wait3A_556 : memref<44x64xf32, #tpu.memory_space<hbm>>) dst(%arg9 : memref<44x64xf32, #tpu.memory_space<vmem>>)
      tpu.yield
    }) : () -> ()
    %dma_wait3A = arith.constant 0 : i32
    %dma_wait3A_194 = arith.constant 0 : i32
    %dma_wait3A_195 = arith.constant 0 : i32
    %dma_wait3A_196 = arith.constant 0 : i32
    %dma_wait3A_197 = tpu.memref_slice %arg8[%dma_wait3A_194, %dma_wait3A_195, %dma_wait3A_196] : memref<16x44x64xf32, #tpu.memory_space<vmem>> -> memref<1x44x64xf32, #tpu.memory_space<vmem>>
    %dma_wait3A_198 = tpu.memref_squeeze %dma_wait3A_197 : memref<1x44x64xf32, #tpu.memory_space<vmem>> -> memref<44x64xf32, #tpu.memory_space<vmem>>
    %dma_wait3A_199 = arith.constant 0 : i32
    %dma_wait3A_200 = tpu.memref_slice %arg7[%dma_wait3A, %dma_wait3A_199] : memref<16x44xi32, #tpu.memory_space<vmem>> -> memref<1x44xi32, #tpu.memory_space<vmem>>
    %dma_wait3A_201 = tpu.memref_squeeze %dma_wait3A_200 : memref<1x44xi32, #tpu.memory_space<vmem>> -> memref<44xi32, #tpu.memory_space<vmem>>
    %dma_wait3A_202 = arith.constant 0 : i32
    %dma_wait3A_203 = arith.constant 0 : i32
    %dma_wait3A_204 = tpu.memref_slice %arg3[%dma_wait3A_202, %dma_wait3A_203] : memref<1000000x64xf32, #tpu.memory_space<hbm>> -> memref<1000000x64xf32, #tpu.memory_space<hbm>>
    tpu.wait_indirect_dma semaphore(%arg14 : memref<!tpu.dma_semaphore, #tpu.memory_space<semaphore_mem>>) src(%dma_wait3A_204 : memref<1000000x64xf32, #tpu.memory_space<hbm>>) dst(%dma_wait3A_198 : memref<44x64xf32, #tpu.memory_space<vmem>>)
    %dma_wait3A_205 = arith.constant 1 : i32
    %dma_wait3A_206 = arith.constant 1 : i32
    %dma_wait3A_207 = arith.constant 0 : i32
    %dma_wait3A_208 = arith.constant 0 : i32
    %dma_wait3A_209 = tpu.memref_slice %arg8[%dma_wait3A_206, %dma_wait3A_207, %dma_wait3A_208] : memref<16x44x64xf32, #tpu.memory_space<vmem>> -> memref<1x44x64xf32, #tpu.memory_space<vmem>>
    %dma_wait3A_210 = tpu.memref_squeeze %dma_wait3A_209 : memref<1x44x64xf32, #tpu.memory_space<vmem>> -> memref<44x64xf32, #tpu.memory_space<vmem>>
    %dma_wait3A_211 = arith.constant 0 : i32
    %dma_wait3A_212 = tpu.memref_slice %arg7[%dma_wait3A_205, %dma_wait3A_211] : memref<16x44xi32, #tpu.memory_space<vmem>> -> memref<1x44xi32, #tpu.memory_space<vmem>>
    %dma_wait3A_213 = tpu.memref_squeeze %dma_wait3A_212 : memref<1x44xi32, #tpu.memory_space<vmem>> -> memref<44xi32, #tpu.memory_space<vmem>>
    %dma_wait3A_214 = arith.constant 0 : i32
    %dma_wait3A_215 = arith.constant 0 : i32
    %dma_wait3A_216 = tpu.memref_slice %arg3[%dma_wait3A_214, %dma_wait3A_215] : memref<1000000x64xf32, #tpu.memory_space<hbm>> -> memref<1000000x64xf32, #tpu.memory_space<hbm>>
    tpu.wait_indirect_dma semaphore(%arg14 : memref<!tpu.dma_semaphore, #tpu.memory_space<semaphore_mem>>) src(%dma_wait3A_216 : memref<1000000x64xf32, #tpu.memory_space<hbm>>) dst(%dma_wait3A_210 : memref<44x64xf32, #tpu.memory_space<vmem>>)
    %dma_wait3A_217 = arith.constant 2 : i32
    %dma_wait3A_218 = arith.constant 2 : i32
    %dma_wait3A_219 = arith.constant 0 : i32
    %dma_wait3A_220 = arith.constant 0 : i32
    %dma_wait3A_221 = tpu.memref_slice %arg8[%dma_wait3A_218, %dma_wait3A_219, %dma_wait3A_220] : memref<16x44x64xf32, #tpu.memory_space<vmem>> -> memref<1x44x64xf32, #tpu.memory_space<vmem>>
    %dma_wait3A_222 = tpu.memref_squeeze %dma_wait3A_221 : memref<1x44x64xf32, #tpu.memory_space<vmem>> -> memref<44x64xf32, #tpu.memory_space<vmem>>
    %dma_wait3A_223 = arith.constant 0 : i32
    %dma_wait3A_224 = tpu.memref_slice %arg7[%dma_wait3A_217, %dma_wait3A_223] : memref<16x44xi32, #tpu.memory_space<vmem>> -> memref<1x44xi32, #tpu.memory_space<vmem>>
    %dma_wait3A_225 = tpu.memref_squeeze %dma_wait3A_224 : memref<1x44xi32, #tpu.memory_space<vmem>> -> memref<44xi32, #tpu.memory_space<vmem>>
    %dma_wait3A_226 = arith.constant 0 : i32
    %dma_wait3A_227 = arith.constant 0 : i32
    %dma_wait3A_228 = tpu.memref_slice %arg3[%dma_wait3A_226, %dma_wait3A_227] : memref<1000000x64xf32, #tpu.memory_space<hbm>> -> memref<1000000x64xf32, #tpu.memory_space<hbm>>
    tpu.wait_indirect_dma semaphore(%arg14 : memref<!tpu.dma_semaphore, #tpu.memory_space<semaphore_mem>>) src(%dma_wait3A_228 : memref<1000000x64xf32, #tpu.memory_space<hbm>>) dst(%dma_wait3A_222 : memref<44x64xf32, #tpu.memory_space<vmem>>)
    %dma_wait3A_229 = arith.constant 3 : i32
    %dma_wait3A_230 = arith.constant 3 : i32
    %dma_wait3A_231 = arith.constant 0 : i32
    %dma_wait3A_232 = arith.constant 0 : i32
    %dma_wait3A_233 = tpu.memref_slice %arg8[%dma_wait3A_230, %dma_wait3A_231, %dma_wait3A_232] : memref<16x44x64xf32, #tpu.memory_space<vmem>> -> memref<1x44x64xf32, #tpu.memory_space<vmem>>
    %dma_wait3A_234 = tpu.memref_squeeze %dma_wait3A_233 : memref<1x44x64xf32, #tpu.memory_space<vmem>> -> memref<44x64xf32, #tpu.memory_space<vmem>>
    %dma_wait3A_235 = arith.constant 0 : i32
    %dma_wait3A_236 = tpu.memref_slice %arg7[%dma_wait3A_229, %dma_wait3A_235] : memref<16x44xi32, #tpu.memory_space<vmem>> -> memref<1x44xi32, #tpu.memory_space<vmem>>
    %dma_wait3A_237 = tpu.memref_squeeze %dma_wait3A_236 : memref<1x44xi32, #tpu.memory_space<vmem>> -> memref<44xi32, #tpu.memory_space<vmem>>
    %dma_wait3A_238 = arith.constant 0 : i32
    %dma_wait3A_239 = arith.constant 0 : i32
    %dma_wait3A_240 = tpu.memref_slice %arg3[%dma_wait3A_238, %dma_wait3A_239] : memref<1000000x64xf32, #tpu.memory_space<hbm>> -> memref<1000000x64xf32, #tpu.memory_space<hbm>>
    tpu.wait_indirect_dma semaphore(%arg14 : memref<!tpu.dma_semaphore, #tpu.memory_space<semaphore_mem>>) src(%dma_wait3A_240 : memref<1000000x64xf32, #tpu.memory_space<hbm>>) dst(%dma_wait3A_234 : memref<44x64xf32, #tpu.memory_space<vmem>>)
    %dma_wait3A_241 = arith.constant 4 : i32
    %dma_wait3A_242 = arith.constant 4 : i32
    %dma_wait3A_243 = arith.constant 0 : i32
    %dma_wait3A_244 = arith.constant 0 : i32
    %dma_wait3A_245 = tpu.memref_slice %arg8[%dma_wait3A_242, %dma_wait3A_243, %dma_wait3A_244] : memref<16x44x64xf32, #tpu.memory_space<vmem>> -> memref<1x44x64xf32, #tpu.memory_space<vmem>>
    %dma_wait3A_246 = tpu.memref_squeeze %dma_wait3A_245 : memref<1x44x64xf32, #tpu.memory_space<vmem>> -> memref<44x64xf32, #tpu.memory_space<vmem>>
    %dma_wait3A_247 = arith.constant 0 : i32
    %dma_wait3A_248 = tpu.memref_slice %arg7[%dma_wait3A_241, %dma_wait3A_247] : memref<16x44xi32, #tpu.memory_space<vmem>> -> memref<1x44xi32, #tpu.memory_space<vmem>>
    %dma_wait3A_249 = tpu.memref_squeeze %dma_wait3A_248 : memref<1x44xi32, #tpu.memory_space<vmem>> -> memref<44xi32, #tpu.memory_space<vmem>>
    %dma_wait3A_250 = arith.constant 0 : i32
    %dma_wait3A_251 = arith.constant 0 : i32
    %dma_wait3A_252 = tpu.memref_slice %arg3[%dma_wait3A_250, %dma_wait3A_251] : memref<1000000x64xf32, #tpu.memory_space<hbm>> -> memref<1000000x64xf32, #tpu.memory_space<hbm>>
    tpu.wait_indirect_dma semaphore(%arg14 : memref<!tpu.dma_semaphore, #tpu.memory_space<semaphore_mem>>) src(%dma_wait3A_252 : memref<1000000x64xf32, #tpu.memory_space<hbm>>) dst(%dma_wait3A_246 : memref<44x64xf32, #tpu.memory_space<vmem>>)
    %dma_wait3A_253 = arith.constant 5 : i32
    %dma_wait3A_254 = arith.constant 5 : i32
    %dma_wait3A_255 = arith.constant 0 : i32
    %dma_wait3A_256 = arith.constant 0 : i32
    %dma_wait3A_257 = tpu.memref_slice %arg8[%dma_wait3A_254, %dma_wait3A_255, %dma_wait3A_256] : memref<16x44x64xf32, #tpu.memory_space<vmem>> -> memref<1x44x64xf32, #tpu.memory_space<vmem>>
    %dma_wait3A_258 = tpu.memref_squeeze %dma_wait3A_257 : memref<1x44x64xf32, #tpu.memory_space<vmem>> -> memref<44x64xf32, #tpu.memory_space<vmem>>
    %dma_wait3A_259 = arith.constant 0 : i32
    %dma_wait3A_260 = tpu.memref_slice %arg7[%dma_wait3A_253, %dma_wait3A_259] : memref<16x44xi32, #tpu.memory_space<vmem>> -> memref<1x44xi32, #tpu.memory_space<vmem>>
    %dma_wait3A_261 = tpu.memref_squeeze %dma_wait3A_260 : memref<1x44xi32, #tpu.memory_space<vmem>> -> memref<44xi32, #tpu.memory_space<vmem>>
    %dma_wait3A_262 = arith.constant 0 : i32
    %dma_wait3A_263 = arith.constant 0 : i32
    %dma_wait3A_264 = tpu.memref_slice %arg3[%dma_wait3A_262, %dma_wait3A_263] : memref<1000000x64xf32, #tpu.memory_space<hbm>> -> memref<1000000x64xf32, #tpu.memory_space<hbm>>
    tpu.wait_indirect_dma semaphore(%arg14 : memref<!tpu.dma_semaphore, #tpu.memory_space<semaphore_mem>>) src(%dma_wait3A_264 : memref<1000000x64xf32, #tpu.memory_space<hbm>>) dst(%dma_wait3A_258 : memref<44x64xf32, #tpu.memory_space<vmem>>)
    %dma_wait3A_265 = arith.constant 6 : i32
    %dma_wait3A_266 = arith.constant 6 : i32
    %dma_wait3A_267 = arith.constant 0 : i32
    %dma_wait3A_268 = arith.constant 0 : i32
    %dma_wait3A_269 = tpu.memref_slice %arg8[%dma_wait3A_266, %dma_wait3A_267, %dma_wait3A_268] : memref<16x44x64xf32, #tpu.memory_space<vmem>> -> memref<1x44x64xf32, #tpu.memory_space<vmem>>
    %dma_wait3A_270 = tpu.memref_squeeze %dma_wait3A_269 : memref<1x44x64xf32, #tpu.memory_space<vmem>> -> memref<44x64xf32, #tpu.memory_space<vmem>>
    %dma_wait3A_271 = arith.constant 0 : i32
    %dma_wait3A_272 = tpu.memref_slice %arg7[%dma_wait3A_265, %dma_wait3A_271] : memref<16x44xi32, #tpu.memory_space<vmem>> -> memref<1x44xi32, #tpu.memory_space<vmem>>
    %dma_wait3A_273 = tpu.memref_squeeze %dma_wait3A_272 : memref<1x44xi32, #tpu.memory_space<vmem>> -> memref<44xi32, #tpu.memory_space<vmem>>
    %dma_wait3A_274 = arith.constant 0 : i32
    %dma_wait3A_275 = arith.constant 0 : i32
    %dma_wait3A_276 = tpu.memref_slice %arg3[%dma_wait3A_274, %dma_wait3A_275] : memref<1000000x64xf32, #tpu.memory_space<hbm>> -> memref<1000000x64xf32, #tpu.memory_space<hbm>>
    tpu.wait_indirect_dma semaphore(%arg14 : memref<!tpu.dma_semaphore, #tpu.memory_space<semaphore_mem>>) src(%dma_wait3A_276 : memref<1000000x64xf32, #tpu.memory_space<hbm>>) dst(%dma_wait3A_270 : memref<44x64xf32, #tpu.memory_space<vmem>>)
    %dma_wait3A_277 = arith.constant 7 : i32
    %dma_wait3A_278 = arith.constant 7 : i32
    %dma_wait3A_279 = arith.constant 0 : i32
    %dma_wait3A_280 = arith.constant 0 : i32
    %dma_wait3A_281 = tpu.memref_slice %arg8[%dma_wait3A_278, %dma_wait3A_279, %dma_wait3A_280] : memref<16x44x64xf32, #tpu.memory_space<vmem>> -> memref<1x44x64xf32, #tpu.memory_space<vmem>>
    %dma_wait3A_282 = tpu.memref_squeeze %dma_wait3A_281 : memref<1x44x64xf32, #tpu.memory_space<vmem>> -> memref<44x64xf32, #tpu.memory_space<vmem>>
    %dma_wait3A_283 = arith.constant 0 : i32
    %dma_wait3A_284 = tpu.memref_slice %arg7[%dma_wait3A_277, %dma_wait3A_283] : memref<16x44xi32, #tpu.memory_space<vmem>> -> memref<1x44xi32, #tpu.memory_space<vmem>>
    %dma_wait3A_285 = tpu.memref_squeeze %dma_wait3A_284 : memref<1x44xi32, #tpu.memory_space<vmem>> -> memref<44xi32, #tpu.memory_space<vmem>>
    %dma_wait3A_286 = arith.constant 0 : i32
    %dma_wait3A_287 = arith.constant 0 : i32
    %dma_wait3A_288 = tpu.memref_slice %arg3[%dma_wait3A_286, %dma_wait3A_287] : memref<1000000x64xf32, #tpu.memory_space<hbm>> -> memref<1000000x64xf32, #tpu.memory_space<hbm>>
    tpu.wait_indirect_dma semaphore(%arg14 : memref<!tpu.dma_semaphore, #tpu.memory_space<semaphore_mem>>) src(%dma_wait3A_288 : memref<1000000x64xf32, #tpu.memory_space<hbm>>) dst(%dma_wait3A_282 : memref<44x64xf32, #tpu.memory_space<vmem>>)
    %dma_wait3A_289 = arith.constant 8 : i32
    %dma_wait3A_290 = arith.constant 8 : i32
    %dma_wait3A_291 = arith.constant 0 : i32
    %dma_wait3A_292 = arith.constant 0 : i32
    %dma_wait3A_293 = tpu.memref_slice %arg8[%dma_wait3A_290, %dma_wait3A_291, %dma_wait3A_292] : memref<16x44x64xf32, #tpu.memory_space<vmem>> -> memref<1x44x64xf32, #tpu.memory_space<vmem>>
    %dma_wait3A_294 = tpu.memref_squeeze %dma_wait3A_293 : memref<1x44x64xf32, #tpu.memory_space<vmem>> -> memref<44x64xf32, #tpu.memory_space<vmem>>
    %dma_wait3A_295 = arith.constant 0 : i32
    %dma_wait3A_296 = tpu.memref_slice %arg7[%dma_wait3A_289, %dma_wait3A_295] : memref<16x44xi32, #tpu.memory_space<vmem>> -> memref<1x44xi32, #tpu.memory_space<vmem>>
    %dma_wait3A_297 = tpu.memref_squeeze %dma_wait3A_296 : memref<1x44xi32, #tpu.memory_space<vmem>> -> memref<44xi32, #tpu.memory_space<vmem>>
    %dma_wait3A_298 = arith.constant 0 : i32
    %dma_wait3A_299 = arith.constant 0 : i32
    %dma_wait3A_300 = tpu.memref_slice %arg3[%dma_wait3A_298, %dma_wait3A_299] : memref<1000000x64xf32, #tpu.memory_space<hbm>> -> memref<1000000x64xf32, #tpu.memory_space<hbm>>
    tpu.wait_indirect_dma semaphore(%arg14 : memref<!tpu.dma_semaphore, #tpu.memory_space<semaphore_mem>>) src(%dma_wait3A_300 : memref<1000000x64xf32, #tpu.memory_space<hbm>>) dst(%dma_wait3A_294 : memref<44x64xf32, #tpu.memory_space<vmem>>)
    %dma_wait3A_301 = arith.constant 9 : i32
    %dma_wait3A_302 = arith.constant 9 : i32
    %dma_wait3A_303 = arith.constant 0 : i32
    %dma_wait3A_304 = arith.constant 0 : i32
    %dma_wait3A_305 = tpu.memref_slice %arg8[%dma_wait3A_302, %dma_wait3A_303, %dma_wait3A_304] : memref<16x44x64xf32, #tpu.memory_space<vmem>> -> memref<1x44x64xf32, #tpu.memory_space<vmem>>
    %dma_wait3A_306 = tpu.memref_squeeze %dma_wait3A_305 : memref<1x44x64xf32, #tpu.memory_space<vmem>> -> memref<44x64xf32, #tpu.memory_space<vmem>>
    %dma_wait3A_307 = arith.constant 0 : i32
    %dma_wait3A_308 = tpu.memref_slice %arg7[%dma_wait3A_301, %dma_wait3A_307] : memref<16x44xi32, #tpu.memory_space<vmem>> -> memref<1x44xi32, #tpu.memory_space<vmem>>
    %dma_wait3A_309 = tpu.memref_squeeze %dma_wait3A_308 : memref<1x44xi32, #tpu.memory_space<vmem>> -> memref<44xi32, #tpu.memory_space<vmem>>
    %dma_wait3A_310 = arith.constant 0 : i32
    %dma_wait3A_311 = arith.constant 0 : i32
    %dma_wait3A_312 = tpu.memref_slice %arg3[%dma_wait3A_310, %dma_wait3A_311] : memref<1000000x64xf32, #tpu.memory_space<hbm>> -> memref<1000000x64xf32, #tpu.memory_space<hbm>>
    tpu.wait_indirect_dma semaphore(%arg14 : memref<!tpu.dma_semaphore, #tpu.memory_space<semaphore_mem>>) src(%dma_wait3A_312 : memref<1000000x64xf32, #tpu.memory_space<hbm>>) dst(%dma_wait3A_306 : memref<44x64xf32, #tpu.memory_space<vmem>>)
    %dma_wait3A_313 = arith.constant 10 : i32
    %dma_wait3A_314 = arith.constant 10 : i32
    %dma_wait3A_315 = arith.constant 0 : i32
    %dma_wait3A_316 = arith.constant 0 : i32
    %dma_wait3A_317 = tpu.memref_slice %arg8[%dma_wait3A_314, %dma_wait3A_315, %dma_wait3A_316] : memref<16x44x64xf32, #tpu.memory_space<vmem>> -> memref<1x44x64xf32, #tpu.memory_space<vmem>>
    %dma_wait3A_318 = tpu.memref_squeeze %dma_wait3A_317 : memref<1x44x64xf32, #tpu.memory_space<vmem>> -> memref<44x64xf32, #tpu.memory_space<vmem>>
    %dma_wait3A_319 = arith.constant 0 : i32
    %dma_wait3A_320 = tpu.memref_slice %arg7[%dma_wait3A_313, %dma_wait3A_319] : memref<16x44xi32, #tpu.memory_space<vmem>> -> memref<1x44xi32, #tpu.memory_space<vmem>>
    %dma_wait3A_321 = tpu.memref_squeeze %dma_wait3A_320 : memref<1x44xi32, #tpu.memory_space<vmem>> -> memref<44xi32, #tpu.memory_space<vmem>>
    %dma_wait3A_322 = arith.constant 0 : i32
    %dma_wait3A_323 = arith.constant 0 : i32
    %dma_wait3A_324 = tpu.memref_slice %arg3[%dma_wait3A_322, %dma_wait3A_323] : memref<1000000x64xf32, #tpu.memory_space<hbm>> -> memref<1000000x64xf32, #tpu.memory_space<hbm>>
    tpu.wait_indirect_dma semaphore(%arg14 : memref<!tpu.dma_semaphore, #tpu.memory_space<semaphore_mem>>) src(%dma_wait3A_324 : memref<1000000x64xf32, #tpu.memory_space<hbm>>) dst(%dma_wait3A_318 : memref<44x64xf32, #tpu.memory_space<vmem>>)
    %dma_wait3A_325 = arith.constant 11 : i32
    %dma_wait3A_326 = arith.constant 11 : i32
    %dma_wait3A_327 = arith.constant 0 : i32
    %dma_wait3A_328 = arith.constant 0 : i32
    %dma_wait3A_329 = tpu.memref_slice %arg8[%dma_wait3A_326, %dma_wait3A_327, %dma_wait3A_328] : memref<16x44x64xf32, #tpu.memory_space<vmem>> -> memref<1x44x64xf32, #tpu.memory_space<vmem>>
    %dma_wait3A_330 = tpu.memref_squeeze %dma_wait3A_329 : memref<1x44x64xf32, #tpu.memory_space<vmem>> -> memref<44x64xf32, #tpu.memory_space<vmem>>
    %dma_wait3A_331 = arith.constant 0 : i32
    %dma_wait3A_332 = tpu.memref_slice %arg7[%dma_wait3A_325, %dma_wait3A_331] : memref<16x44xi32, #tpu.memory_space<vmem>> -> memref<1x44xi32, #tpu.memory_space<vmem>>
    %dma_wait3A_333 = tpu.memref_squeeze %dma_wait3A_332 : memref<1x44xi32, #tpu.memory_space<vmem>> -> memref<44xi32, #tpu.memory_space<vmem>>
    %dma_wait3A_334 = arith.constant 0 : i32
    %dma_wait3A_335 = arith.constant 0 : i32
    %dma_wait3A_336 = tpu.memref_slice %arg3[%dma_wait3A_334, %dma_wait3A_335] : memref<1000000x64xf32, #tpu.memory_space<hbm>> -> memref<1000000x64xf32, #tpu.memory_space<hbm>>
    tpu.wait_indirect_dma semaphore(%arg14 : memref<!tpu.dma_semaphore, #tpu.memory_space<semaphore_mem>>) src(%dma_wait3A_336 : memref<1000000x64xf32, #tpu.memory_space<hbm>>) dst(%dma_wait3A_330 : memref<44x64xf32, #tpu.memory_space<vmem>>)
    %dma_wait3A_337 = arith.constant 12 : i32
    %dma_wait3A_338 = arith.constant 12 : i32
    %dma_wait3A_339 = arith.constant 0 : i32
    %dma_wait3A_340 = arith.constant 0 : i32
    %dma_wait3A_341 = tpu.memref_slice %arg8[%dma_wait3A_338, %dma_wait3A_339, %dma_wait3A_340] : memref<16x44x64xf32, #tpu.memory_space<vmem>> -> memref<1x44x64xf32, #tpu.memory_space<vmem>>
    %dma_wait3A_342 = tpu.memref_squeeze %dma_wait3A_341 : memref<1x44x64xf32, #tpu.memory_space<vmem>> -> memref<44x64xf32, #tpu.memory_space<vmem>>
    %dma_wait3A_343 = arith.constant 0 : i32
    %dma_wait3A_344 = tpu.memref_slice %arg7[%dma_wait3A_337, %dma_wait3A_343] : memref<16x44xi32, #tpu.memory_space<vmem>> -> memref<1x44xi32, #tpu.memory_space<vmem>>
    %dma_wait3A_345 = tpu.memref_squeeze %dma_wait3A_344 : memref<1x44xi32, #tpu.memory_space<vmem>> -> memref<44xi32, #tpu.memory_space<vmem>>
    %dma_wait3A_346 = arith.constant 0 : i32
    %dma_wait3A_347 = arith.constant 0 : i32
    %dma_wait3A_348 = tpu.memref_slice %arg3[%dma_wait3A_346, %dma_wait3A_347] : memref<1000000x64xf32, #tpu.memory_space<hbm>> -> memref<1000000x64xf32, #tpu.memory_space<hbm>>
    tpu.wait_indirect_dma semaphore(%arg14 : memref<!tpu.dma_semaphore, #tpu.memory_space<semaphore_mem>>) src(%dma_wait3A_348 : memref<1000000x64xf32, #tpu.memory_space<hbm>>) dst(%dma_wait3A_342 : memref<44x64xf32, #tpu.memory_space<vmem>>)
    %dma_wait3A_349 = arith.constant 13 : i32
    %dma_wait3A_350 = arith.constant 13 : i32
    %dma_wait3A_351 = arith.constant 0 : i32
    %dma_wait3A_352 = arith.constant 0 : i32
    %dma_wait3A_353 = tpu.memref_slice %arg8[%dma_wait3A_350, %dma_wait3A_351, %dma_wait3A_352] : memref<16x44x64xf32, #tpu.memory_space<vmem>> -> memref<1x44x64xf32, #tpu.memory_space<vmem>>
    %dma_wait3A_354 = tpu.memref_squeeze %dma_wait3A_353 : memref<1x44x64xf32, #tpu.memory_space<vmem>> -> memref<44x64xf32, #tpu.memory_space<vmem>>
    %dma_wait3A_355 = arith.constant 0 : i32
    %dma_wait3A_356 = tpu.memref_slice %arg7[%dma_wait3A_349, %dma_wait3A_355] : memref<16x44xi32, #tpu.memory_space<vmem>> -> memref<1x44xi32, #tpu.memory_space<vmem>>
    %dma_wait3A_357 = tpu.memref_squeeze %dma_wait3A_356 : memref<1x44xi32, #tpu.memory_space<vmem>> -> memref<44xi32, #tpu.memory_space<vmem>>
    %dma_wait3A_358 = arith.constant 0 : i32
    %dma_wait3A_359 = arith.constant 0 : i32
    %dma_wait3A_360 = tpu.memref_slice %arg3[%dma_wait3A_358, %dma_wait3A_359] : memref<1000000x64xf32, #tpu.memory_space<hbm>> -> memref<1000000x64xf32, #tpu.memory_space<hbm>>
    tpu.wait_indirect_dma semaphore(%arg14 : memref<!tpu.dma_semaphore, #tpu.memory_space<semaphore_mem>>) src(%dma_wait3A_360 : memref<1000000x64xf32, #tpu.memory_space<hbm>>) dst(%dma_wait3A_354 : memref<44x64xf32, #tpu.memory_space<vmem>>)
    %dma_wait3A_361 = arith.constant 14 : i32
    %dma_wait3A_362 = arith.constant 14 : i32
    %dma_wait3A_363 = arith.constant 0 : i32
    %dma_wait3A_364 = arith.constant 0 : i32
    %dma_wait3A_365 = tpu.memref_slice %arg8[%dma_wait3A_362, %dma_wait3A_363, %dma_wait3A_364] : memref<16x44x64xf32, #tpu.memory_space<vmem>> -> memref<1x44x64xf32, #tpu.memory_space<vmem>>
    %dma_wait3A_366 = tpu.memref_squeeze %dma_wait3A_365 : memref<1x44x64xf32, #tpu.memory_space<vmem>> -> memref<44x64xf32, #tpu.memory_space<vmem>>
    %dma_wait3A_367 = arith.constant 0 : i32
    %dma_wait3A_368 = tpu.memref_slice %arg7[%dma_wait3A_361, %dma_wait3A_367] : memref<16x44xi32, #tpu.memory_space<vmem>> -> memref<1x44xi32, #tpu.memory_space<vmem>>
    %dma_wait3A_369 = tpu.memref_squeeze %dma_wait3A_368 : memref<1x44xi32, #tpu.memory_space<vmem>> -> memref<44xi32, #tpu.memory_space<vmem>>
    %dma_wait3A_370 = arith.constant 0 : i32
    %dma_wait3A_371 = arith.constant 0 : i32
    %dma_wait3A_372 = tpu.memref_slice %arg3[%dma_wait3A_370, %dma_wait3A_371] : memref<1000000x64xf32, #tpu.memory_space<hbm>> -> memref<1000000x64xf32, #tpu.memory_space<hbm>>
    tpu.wait_indirect_dma semaphore(%arg14 : memref<!tpu.dma_semaphore, #tpu.memory_space<semaphore_mem>>) src(%dma_wait3A_372 : memref<1000000x64xf32, #tpu.memory_space<hbm>>) dst(%dma_wait3A_366 : memref<44x64xf32, #tpu.memory_space<vmem>>)
    %dma_wait3A_373 = arith.constant 15 : i32
    %dma_wait3A_374 = arith.constant 15 : i32
    %dma_wait3A_375 = arith.constant 0 : i32
    %dma_wait3A_376 = arith.constant 0 : i32
    %dma_wait3A_377 = tpu.memref_slice %arg8[%dma_wait3A_374, %dma_wait3A_375, %dma_wait3A_376] : memref<16x44x64xf32, #tpu.memory_space<vmem>> -> memref<1x44x64xf32, #tpu.memory_space<vmem>>
    %dma_wait3A_378 = tpu.memref_squeeze %dma_wait3A_377 : memref<1x44x64xf32, #tpu.memory_space<vmem>> -> memref<44x64xf32, #tpu.memory_space<vmem>>
    %dma_wait3A_379 = arith.constant 0 : i32
    %dma_wait3A_380 = tpu.memref_slice %arg7[%dma_wait3A_373, %dma_wait3A_379] : memref<16x44xi32, #tpu.memory_space<vmem>> -> memref<1x44xi32, #tpu.memory_space<vmem>>
    %dma_wait3A_381 = tpu.memref_squeeze %dma_wait3A_380 : memref<1x44xi32, #tpu.memory_space<vmem>> -> memref<44xi32, #tpu.memory_space<vmem>>
    %dma_wait3A_382 = arith.constant 0 : i32
    %dma_wait3A_383 = arith.constant 0 : i32
    %dma_wait3A_384 = tpu.memref_slice %arg3[%dma_wait3A_382, %dma_wait3A_383] : memref<1000000x64xf32, #tpu.memory_space<hbm>> -> memref<1000000x64xf32, #tpu.memory_space<hbm>>
    tpu.wait_indirect_dma semaphore(%arg14 : memref<!tpu.dma_semaphore, #tpu.memory_space<semaphore_mem>>) src(%dma_wait3A_384 : memref<1000000x64xf32, #tpu.memory_space<hbm>>) dst(%dma_wait3A_378 : memref<44x64xf32, #tpu.memory_space<vmem>>)
    %broadcast_in_dim3A = arith.constant 0.000000e+00 : f32
    %broadcast_in_dim3A_385 = vector.broadcast %broadcast_in_dim3A : f32 to vector<16xf32>
    %scan3A = arith.constant 0 : i32
    %scan3A_386 = arith.constant 44 : i32
    %scan3A_387 = arith.addi %scan3A, %scan3A_386 : i32
    %scan3A_388 = arith.constant 1 : i32
    %scan3A_389:16 = scf.for %scan3A_541 = %scan3A to %scan3A_387 step %scan3A_388 iter_args(%scan3A_542 = %broadcast_in_dim3A_385, %scan3A_543 = %broadcast_in_dim3A_385, %scan3A_544 = %broadcast_in_dim3A_385, %scan3A_545 = %broadcast_in_dim3A_385, %scan3A_546 = %broadcast_in_dim3A_385, %scan3A_547 = %broadcast_in_dim3A_385, %scan3A_548 = %broadcast_in_dim3A_385, %scan3A_549 = %broadcast_in_dim3A_385, %scan3A_550 = %broadcast_in_dim3A_385, %scan3A_551 = %broadcast_in_dim3A_385, %scan3A_552 = %broadcast_in_dim3A_385, %scan3A_553 = %broadcast_in_dim3A_385, %scan3A_554 = %broadcast_in_dim3A_385, %scan3A_555 = %broadcast_in_dim3A_385, %scan3A_556 = %broadcast_in_dim3A_385, %scan3A_557 = %broadcast_in_dim3A_385) -> (vector<16xf32>, vector<16xf32>, vector<16xf32>, vector<16xf32>, vector<16xf32>, vector<16xf32>, vector<16xf32>, vector<16xf32>, vector<16xf32>, vector<16xf32>, vector<16xf32>, vector<16xf32>, vector<16xf32>, vector<16xf32>, vector<16xf32>, vector<16xf32>)  : i32 {
      %get3A = arith.index_cast %scan3A_541 : i32 to index
      %get3A_558 = arith.constant 0 : index
      %get3A_559 = tpu.vector_load %arg9[%get3A, %get3A_558] {strides = array<i32>} : memref<44x64xf32, #tpu.memory_space<vmem>>, vector<16xf32>,
      %get3A_560 = arith.index_cast %scan3A_541 : i32 to index
      %get3A_561 = arith.constant 16 : index
      %get3A_562 = tpu.vector_load %arg9[%get3A_560, %get3A_561] {strides = array<i32>} : memref<44x64xf32, #tpu.memory_space<vmem>>, vector<16xf32>,
      %get3A_563 = arith.index_cast %scan3A_541 : i32 to index
      %get3A_564 = arith.constant 32 : index
      %get3A_565 = tpu.vector_load %arg9[%get3A_563, %get3A_564] {strides = array<i32>} : memref<44x64xf32, #tpu.memory_space<vmem>>, vector<16xf32>,
      %get3A_566 = arith.index_cast %scan3A_541 : i32 to index
      %get3A_567 = arith.constant 48 : index
      %get3A_568 = tpu.vector_load %arg9[%get3A_566, %get3A_567] {strides = array<i32>} : memref<44x64xf32, #tpu.memory_space<vmem>>, vector<16xf32>,
      %get3A_569 = arith.constant 0 : i32
      %get3A_570 = arith.index_cast %get3A_569 : i32 to index
      %get3A_571 = arith.index_cast %scan3A_541 : i32 to index
      %get3A_572 = arith.constant 0 : index
      %get3A_573 = tpu.vector_load %arg8[%get3A_570, %get3A_571, %get3A_572] {strides = array<i32>} : memref<16x44x64xf32, #tpu.memory_space<vmem>>, vector<16xf32>,
      %mul3A_574 = arith.mulf %get3A_573, %get3A_559 : vector<16xf32>
      %add3A = arith.addf %scan3A_542, %mul3A_574 : vector<16xf32>
      %get3A_575 = arith.constant 0 : i32
      %get3A_576 = arith.index_cast %get3A_575 : i32 to index
      %get3A_577 = arith.index_cast %scan3A_541 : i32 to index
      %get3A_578 = arith.constant 16 : index
      %get3A_579 = tpu.vector_load %arg8[%get3A_576, %get3A_577, %get3A_578] {strides = array<i32>} : memref<16x44x64xf32, #tpu.memory_space<vmem>>, vector<16xf32>,
      %mul3A_580 = arith.mulf %get3A_579, %get3A_562 : vector<16xf32>
      %add3A_581 = arith.addf %add3A, %mul3A_580 : vector<16xf32>
      %get3A_582 = arith.constant 0 : i32
      %get3A_583 = arith.index_cast %get3A_582 : i32 to index
      %get3A_584 = arith.index_cast %scan3A_541 : i32 to index
      %get3A_585 = arith.constant 32 : index
      %get3A_586 = tpu.vector_load %arg8[%get3A_583, %get3A_584, %get3A_585] {strides = array<i32>} : memref<16x44x64xf32, #tpu.memory_space<vmem>>, vector<16xf32>,
      %mul3A_587 = arith.mulf %get3A_586, %get3A_565 : vector<16xf32>
      %add3A_588 = arith.addf %add3A_581, %mul3A_587 : vector<16xf32>
      %get3A_589 = arith.constant 0 : i32
      %get3A_590 = arith.index_cast %get3A_589 : i32 to index
      %get3A_591 = arith.index_cast %scan3A_541 : i32 to index
      %get3A_592 = arith.constant 48 : index
      %get3A_593 = tpu.vector_load %arg8[%get3A_590, %get3A_591, %get3A_592] {strides = array<i32>} : memref<16x44x64xf32, #tpu.memory_space<vmem>>, vector<16xf32>,
      %mul3A_594 = arith.mulf %get3A_593, %get3A_568 : vector<16xf32>
      %add3A_595 = arith.addf %add3A_588, %mul3A_594 : vector<16xf32>
      %get3A_596 = arith.constant 1 : i32
      %get3A_597 = arith.index_cast %get3A_596 : i32 to index
      %get3A_598 = arith.index_cast %scan3A_541 : i32 to index
      %get3A_599 = arith.constant 0 : index
      %get3A_600 = tpu.vector_load %arg8[%get3A_597, %get3A_598, %get3A_599] {strides = array<i32>} : memref<16x44x64xf32, #tpu.memory_space<vmem>>, vector<16xf32>,
      %mul3A_601 = arith.mulf %get3A_600, %get3A_559 : vector<16xf32>
      %add3A_602 = arith.addf %scan3A_543, %mul3A_601 : vector<16xf32>
      %get3A_603 = arith.constant 1 : i32
      %get3A_604 = arith.index_cast %get3A_603 : i32 to index
      %get3A_605 = arith.index_cast %scan3A_541 : i32 to index
      %get3A_606 = arith.constant 16 : index
      %get3A_607 = tpu.vector_load %arg8[%get3A_604, %get3A_605, %get3A_606] {strides = array<i32>} : memref<16x44x64xf32, #tpu.memory_space<vmem>>, vector<16xf32>,
      %mul3A_608 = arith.mulf %get3A_607, %get3A_562 : vector<16xf32>
      %add3A_609 = arith.addf %add3A_602, %mul3A_608 : vector<16xf32>
      %get3A_610 = arith.constant 1 : i32
      %get3A_611 = arith.index_cast %get3A_610 : i32 to index
      %get3A_612 = arith.index_cast %scan3A_541 : i32 to index
      %get3A_613 = arith.constant 32 : index
      %get3A_614 = tpu.vector_load %arg8[%get3A_611, %get3A_612, %get3A_613] {strides = array<i32>} : memref<16x44x64xf32, #tpu.memory_space<vmem>>, vector<16xf32>,
      %mul3A_615 = arith.mulf %get3A_614, %get3A_565 : vector<16xf32>
      %add3A_616 = arith.addf %add3A_609, %mul3A_615 : vector<16xf32>
      %get3A_617 = arith.constant 1 : i32
      %get3A_618 = arith.index_cast %get3A_617 : i32 to index
      %get3A_619 = arith.index_cast %scan3A_541 : i32 to index
      %get3A_620 = arith.constant 48 : index
      %get3A_621 = tpu.vector_load %arg8[%get3A_618, %get3A_619, %get3A_620] {strides = array<i32>} : memref<16x44x64xf32, #tpu.memory_space<vmem>>, vector<16xf32>,
      %mul3A_622 = arith.mulf %get3A_621, %get3A_568 : vector<16xf32>
      %add3A_623 = arith.addf %add3A_616, %mul3A_622 : vector<16xf32>
      %get3A_624 = arith.constant 2 : i32
      %get3A_625 = arith.index_cast %get3A_624 : i32 to index
      %get3A_626 = arith.index_cast %scan3A_541 : i32 to index
      %get3A_627 = arith.constant 0 : index
      %get3A_628 = tpu.vector_load %arg8[%get3A_625, %get3A_626, %get3A_627] {strides = array<i32>} : memref<16x44x64xf32, #tpu.memory_space<vmem>>, vector<16xf32>,
      %mul3A_629 = arith.mulf %get3A_628, %get3A_559 : vector<16xf32>
      %add3A_630 = arith.addf %scan3A_544, %mul3A_629 : vector<16xf32>
      %get3A_631 = arith.constant 2 : i32
      %get3A_632 = arith.index_cast %get3A_631 : i32 to index
      %get3A_633 = arith.index_cast %scan3A_541 : i32 to index
      %get3A_634 = arith.constant 16 : index
      %get3A_635 = tpu.vector_load %arg8[%get3A_632, %get3A_633, %get3A_634] {strides = array<i32>} : memref<16x44x64xf32, #tpu.memory_space<vmem>>, vector<16xf32>,
      %mul3A_636 = arith.mulf %get3A_635, %get3A_562 : vector<16xf32>
      %add3A_637 = arith.addf %add3A_630, %mul3A_636 : vector<16xf32>
      %get3A_638 = arith.constant 2 : i32
      %get3A_639 = arith.index_cast %get3A_638 : i32 to index
      %get3A_640 = arith.index_cast %scan3A_541 : i32 to index
      %get3A_641 = arith.constant 32 : index
      %get3A_642 = tpu.vector_load %arg8[%get3A_639, %get3A_640, %get3A_641] {strides = array<i32>} : memref<16x44x64xf32, #tpu.memory_space<vmem>>, vector<16xf32>,
      %mul3A_643 = arith.mulf %get3A_642, %get3A_565 : vector<16xf32>
      %add3A_644 = arith.addf %add3A_637, %mul3A_643 : vector<16xf32>
      %get3A_645 = arith.constant 2 : i32
      %get3A_646 = arith.index_cast %get3A_645 : i32 to index
      %get3A_647 = arith.index_cast %scan3A_541 : i32 to index
      %get3A_648 = arith.constant 48 : index
      %get3A_649 = tpu.vector_load %arg8[%get3A_646, %get3A_647, %get3A_648] {strides = array<i32>} : memref<16x44x64xf32, #tpu.memory_space<vmem>>, vector<16xf32>,
      %mul3A_650 = arith.mulf %get3A_649, %get3A_568 : vector<16xf32>
      %add3A_651 = arith.addf %add3A_644, %mul3A_650 : vector<16xf32>
      %get3A_652 = arith.constant 3 : i32
      %get3A_653 = arith.index_cast %get3A_652 : i32 to index
      %get3A_654 = arith.index_cast %scan3A_541 : i32 to index
      %get3A_655 = arith.constant 0 : index
      %get3A_656 = tpu.vector_load %arg8[%get3A_653, %get3A_654, %get3A_655] {strides = array<i32>} : memref<16x44x64xf32, #tpu.memory_space<vmem>>, vector<16xf32>,
      %mul3A_657 = arith.mulf %get3A_656, %get3A_559 : vector<16xf32>
      %add3A_658 = arith.addf %scan3A_545, %mul3A_657 : vector<16xf32>
      %get3A_659 = arith.constant 3 : i32
      %get3A_660 = arith.index_cast %get3A_659 : i32 to index
      %get3A_661 = arith.index_cast %scan3A_541 : i32 to index
      %get3A_662 = arith.constant 16 : index
      %get3A_663 = tpu.vector_load %arg8[%get3A_660, %get3A_661, %get3A_662] {strides = array<i32>} : memref<16x44x64xf32, #tpu.memory_space<vmem>>, vector<16xf32>,
      %mul3A_664 = arith.mulf %get3A_663, %get3A_562 : vector<16xf32>
      %add3A_665 = arith.addf %add3A_658, %mul3A_664 : vector<16xf32>
      %get3A_666 = arith.constant 3 : i32
      %get3A_667 = arith.index_cast %get3A_666 : i32 to index
      %get3A_668 = arith.index_cast %scan3A_541 : i32 to index
      %get3A_669 = arith.constant 32 : index
      %get3A_670 = tpu.vector_load %arg8[%get3A_667, %get3A_668, %get3A_669] {strides = array<i32>} : memref<16x44x64xf32, #tpu.memory_space<vmem>>, vector<16xf32>,
      %mul3A_671 = arith.mulf %get3A_670, %get3A_565 : vector<16xf32>
      %add3A_672 = arith.addf %add3A_665, %mul3A_671 : vector<16xf32>
      %get3A_673 = arith.constant 3 : i32
      %get3A_674 = arith.index_cast %get3A_673 : i32 to index
      %get3A_675 = arith.index_cast %scan3A_541 : i32 to index
      %get3A_676 = arith.constant 48 : index
      %get3A_677 = tpu.vector_load %arg8[%get3A_674, %get3A_675, %get3A_676] {strides = array<i32>} : memref<16x44x64xf32, #tpu.memory_space<vmem>>, vector<16xf32>,
      %mul3A_678 = arith.mulf %get3A_677, %get3A_568 : vector<16xf32>
      %add3A_679 = arith.addf %add3A_672, %mul3A_678 : vector<16xf32>
      %get3A_680 = arith.constant 4 : i32
      %get3A_681 = arith.index_cast %get3A_680 : i32 to index
      %get3A_682 = arith.index_cast %scan3A_541 : i32 to index
      %get3A_683 = arith.constant 0 : index
      %get3A_684 = tpu.vector_load %arg8[%get3A_681, %get3A_682, %get3A_683] {strides = array<i32>} : memref<16x44x64xf32, #tpu.memory_space<vmem>>, vector<16xf32>,
      %mul3A_685 = arith.mulf %get3A_684, %get3A_559 : vector<16xf32>
      %add3A_686 = arith.addf %scan3A_546, %mul3A_685 : vector<16xf32>
      %get3A_687 = arith.constant 4 : i32
      %get3A_688 = arith.index_cast %get3A_687 : i32 to index
      %get3A_689 = arith.index_cast %scan3A_541 : i32 to index
      %get3A_690 = arith.constant 16 : index
      %get3A_691 = tpu.vector_load %arg8[%get3A_688, %get3A_689, %get3A_690] {strides = array<i32>} : memref<16x44x64xf32, #tpu.memory_space<vmem>>, vector<16xf32>,
      %mul3A_692 = arith.mulf %get3A_691, %get3A_562 : vector<16xf32>
      %add3A_693 = arith.addf %add3A_686, %mul3A_692 : vector<16xf32>
      %get3A_694 = arith.constant 4 : i32
      %get3A_695 = arith.index_cast %get3A_694 : i32 to index
      %get3A_696 = arith.index_cast %scan3A_541 : i32 to index
      %get3A_697 = arith.constant 32 : index
      %get3A_698 = tpu.vector_load %arg8[%get3A_695, %get3A_696, %get3A_697] {strides = array<i32>} : memref<16x44x64xf32, #tpu.memory_space<vmem>>, vector<16xf32>,
      %mul3A_699 = arith.mulf %get3A_698, %get3A_565 : vector<16xf32>
      %add3A_700 = arith.addf %add3A_693, %mul3A_699 : vector<16xf32>
      %get3A_701 = arith.constant 4 : i32
      %get3A_702 = arith.index_cast %get3A_701 : i32 to index
      %get3A_703 = arith.index_cast %scan3A_541 : i32 to index
      %get3A_704 = arith.constant 48 : index
      %get3A_705 = tpu.vector_load %arg8[%get3A_702, %get3A_703, %get3A_704] {strides = array<i32>} : memref<16x44x64xf32, #tpu.memory_space<vmem>>, vector<16xf32>,
      %mul3A_706 = arith.mulf %get3A_705, %get3A_568 : vector<16xf32>
      %add3A_707 = arith.addf %add3A_700, %mul3A_706 : vector<16xf32>
      %get3A_708 = arith.constant 5 : i32
      %get3A_709 = arith.index_cast %get3A_708 : i32 to index
      %get3A_710 = arith.index_cast %scan3A_541 : i32 to index
      %get3A_711 = arith.constant 0 : index
      %get3A_712 = tpu.vector_load %arg8[%get3A_709, %get3A_710, %get3A_711] {strides = array<i32>} : memref<16x44x64xf32, #tpu.memory_space<vmem>>, vector<16xf32>,
      %mul3A_713 = arith.mulf %get3A_712, %get3A_559 : vector<16xf32>
      %add3A_714 = arith.addf %scan3A_547, %mul3A_713 : vector<16xf32>
      %get3A_715 = arith.constant 5 : i32
      %get3A_716 = arith.index_cast %get3A_715 : i32 to index
      %get3A_717 = arith.index_cast %scan3A_541 : i32 to index
      %get3A_718 = arith.constant 16 : index
      %get3A_719 = tpu.vector_load %arg8[%get3A_716, %get3A_717, %get3A_718] {strides = array<i32>} : memref<16x44x64xf32, #tpu.memory_space<vmem>>, vector<16xf32>,
      %mul3A_720 = arith.mulf %get3A_719, %get3A_562 : vector<16xf32>
      %add3A_721 = arith.addf %add3A_714, %mul3A_720 : vector<16xf32>
      %get3A_722 = arith.constant 5 : i32
      %get3A_723 = arith.index_cast %get3A_722 : i32 to index
      %get3A_724 = arith.index_cast %scan3A_541 : i32 to index
      %get3A_725 = arith.constant 32 : index
      %get3A_726 = tpu.vector_load %arg8[%get3A_723, %get3A_724, %get3A_725] {strides = array<i32>} : memref<16x44x64xf32, #tpu.memory_space<vmem>>, vector<16xf32>,
      %mul3A_727 = arith.mulf %get3A_726, %get3A_565 : vector<16xf32>
      %add3A_728 = arith.addf %add3A_721, %mul3A_727 : vector<16xf32>
      %get3A_729 = arith.constant 5 : i32
      %get3A_730 = arith.index_cast %get3A_729 : i32 to index
      %get3A_731 = arith.index_cast %scan3A_541 : i32 to index
      %get3A_732 = arith.constant 48 : index
      %get3A_733 = tpu.vector_load %arg8[%get3A_730, %get3A_731, %get3A_732] {strides = array<i32>} : memref<16x44x64xf32, #tpu.memory_space<vmem>>, vector<16xf32>,
      %mul3A_734 = arith.mulf %get3A_733, %get3A_568 : vector<16xf32>
      %add3A_735 = arith.addf %add3A_728, %mul3A_734 : vector<16xf32>
      %get3A_736 = arith.constant 6 : i32
      %get3A_737 = arith.index_cast %get3A_736 : i32 to index
      %get3A_738 = arith.index_cast %scan3A_541 : i32 to index
      %get3A_739 = arith.constant 0 : index
      %get3A_740 = tpu.vector_load %arg8[%get3A_737, %get3A_738, %get3A_739] {strides = array<i32>} : memref<16x44x64xf32, #tpu.memory_space<vmem>>, vector<16xf32>,
      %mul3A_741 = arith.mulf %get3A_740, %get3A_559 : vector<16xf32>
      %add3A_742 = arith.addf %scan3A_548, %mul3A_741 : vector<16xf32>
      %get3A_743 = arith.constant 6 : i32
      %get3A_744 = arith.index_cast %get3A_743 : i32 to index
      %get3A_745 = arith.index_cast %scan3A_541 : i32 to index
      %get3A_746 = arith.constant 16 : index
      %get3A_747 = tpu.vector_load %arg8[%get3A_744, %get3A_745, %get3A_746] {strides = array<i32>} : memref<16x44x64xf32, #tpu.memory_space<vmem>>, vector<16xf32>,
      %mul3A_748 = arith.mulf %get3A_747, %get3A_562 : vector<16xf32>
      %add3A_749 = arith.addf %add3A_742, %mul3A_748 : vector<16xf32>
      %get3A_750 = arith.constant 6 : i32
      %get3A_751 = arith.index_cast %get3A_750 : i32 to index
      %get3A_752 = arith.index_cast %scan3A_541 : i32 to index
      %get3A_753 = arith.constant 32 : index
      %get3A_754 = tpu.vector_load %arg8[%get3A_751, %get3A_752, %get3A_753] {strides = array<i32>} : memref<16x44x64xf32, #tpu.memory_space<vmem>>, vector<16xf32>,
      %mul3A_755 = arith.mulf %get3A_754, %get3A_565 : vector<16xf32>
      %add3A_756 = arith.addf %add3A_749, %mul3A_755 : vector<16xf32>
      %get3A_757 = arith.constant 6 : i32
      %get3A_758 = arith.index_cast %get3A_757 : i32 to index
      %get3A_759 = arith.index_cast %scan3A_541 : i32 to index
      %get3A_760 = arith.constant 48 : index
      %get3A_761 = tpu.vector_load %arg8[%get3A_758, %get3A_759, %get3A_760] {strides = array<i32>} : memref<16x44x64xf32, #tpu.memory_space<vmem>>, vector<16xf32>,
      %mul3A_762 = arith.mulf %get3A_761, %get3A_568 : vector<16xf32>
      %add3A_763 = arith.addf %add3A_756, %mul3A_762 : vector<16xf32>
      %get3A_764 = arith.constant 7 : i32
      %get3A_765 = arith.index_cast %get3A_764 : i32 to index
      %get3A_766 = arith.index_cast %scan3A_541 : i32 to index
      %get3A_767 = arith.constant 0 : index
      %get3A_768 = tpu.vector_load %arg8[%get3A_765, %get3A_766, %get3A_767] {strides = array<i32>} : memref<16x44x64xf32, #tpu.memory_space<vmem>>, vector<16xf32>,
      %mul3A_769 = arith.mulf %get3A_768, %get3A_559 : vector<16xf32>
      %add3A_770 = arith.addf %scan3A_549, %mul3A_769 : vector<16xf32>
      %get3A_771 = arith.constant 7 : i32
      %get3A_772 = arith.index_cast %get3A_771 : i32 to index
      %get3A_773 = arith.index_cast %scan3A_541 : i32 to index
      %get3A_774 = arith.constant 16 : index
      %get3A_775 = tpu.vector_load %arg8[%get3A_772, %get3A_773, %get3A_774] {strides = array<i32>} : memref<16x44x64xf32, #tpu.memory_space<vmem>>, vector<16xf32>,
      %mul3A_776 = arith.mulf %get3A_775, %get3A_562 : vector<16xf32>
      %add3A_777 = arith.addf %add3A_770, %mul3A_776 : vector<16xf32>
      %get3A_778 = arith.constant 7 : i32
      %get3A_779 = arith.index_cast %get3A_778 : i32 to index
      %get3A_780 = arith.index_cast %scan3A_541 : i32 to index
      %get3A_781 = arith.constant 32 : index
      %get3A_782 = tpu.vector_load %arg8[%get3A_779, %get3A_780, %get3A_781] {strides = array<i32>} : memref<16x44x64xf32, #tpu.memory_space<vmem>>, vector<16xf32>,
      %mul3A_783 = arith.mulf %get3A_782, %get3A_565 : vector<16xf32>
      %add3A_784 = arith.addf %add3A_777, %mul3A_783 : vector<16xf32>
      %get3A_785 = arith.constant 7 : i32
      %get3A_786 = arith.index_cast %get3A_785 : i32 to index
      %get3A_787 = arith.index_cast %scan3A_541 : i32 to index
      %get3A_788 = arith.constant 48 : index
      %get3A_789 = tpu.vector_load %arg8[%get3A_786, %get3A_787, %get3A_788] {strides = array<i32>} : memref<16x44x64xf32, #tpu.memory_space<vmem>>, vector<16xf32>,
      %mul3A_790 = arith.mulf %get3A_789, %get3A_568 : vector<16xf32>
      %add3A_791 = arith.addf %add3A_784, %mul3A_790 : vector<16xf32>
      %get3A_792 = arith.constant 8 : i32
      %get3A_793 = arith.index_cast %get3A_792 : i32 to index
      %get3A_794 = arith.index_cast %scan3A_541 : i32 to index
      %get3A_795 = arith.constant 0 : index
      %get3A_796 = tpu.vector_load %arg8[%get3A_793, %get3A_794, %get3A_795] {strides = array<i32>} : memref<16x44x64xf32, #tpu.memory_space<vmem>>, vector<16xf32>,
      %mul3A_797 = arith.mulf %get3A_796, %get3A_559 : vector<16xf32>
      %add3A_798 = arith.addf %scan3A_550, %mul3A_797 : vector<16xf32>
      %get3A_799 = arith.constant 8 : i32
      %get3A_800 = arith.index_cast %get3A_799 : i32 to index
      %get3A_801 = arith.index_cast %scan3A_541 : i32 to index
      %get3A_802 = arith.constant 16 : index
      %get3A_803 = tpu.vector_load %arg8[%get3A_800, %get3A_801, %get3A_802] {strides = array<i32>} : memref<16x44x64xf32, #tpu.memory_space<vmem>>, vector<16xf32>,
      %mul3A_804 = arith.mulf %get3A_803, %get3A_562 : vector<16xf32>
      %add3A_805 = arith.addf %add3A_798, %mul3A_804 : vector<16xf32>
      %get3A_806 = arith.constant 8 : i32
      %get3A_807 = arith.index_cast %get3A_806 : i32 to index
      %get3A_808 = arith.index_cast %scan3A_541 : i32 to index
      %get3A_809 = arith.constant 32 : index
      %get3A_810 = tpu.vector_load %arg8[%get3A_807, %get3A_808, %get3A_809] {strides = array<i32>} : memref<16x44x64xf32, #tpu.memory_space<vmem>>, vector<16xf32>,
      %mul3A_811 = arith.mulf %get3A_810, %get3A_565 : vector<16xf32>
      %add3A_812 = arith.addf %add3A_805, %mul3A_811 : vector<16xf32>
      %get3A_813 = arith.constant 8 : i32
      %get3A_814 = arith.index_cast %get3A_813 : i32 to index
      %get3A_815 = arith.index_cast %scan3A_541 : i32 to index
      %get3A_816 = arith.constant 48 : index
      %get3A_817 = tpu.vector_load %arg8[%get3A_814, %get3A_815, %get3A_816] {strides = array<i32>} : memref<16x44x64xf32, #tpu.memory_space<vmem>>, vector<16xf32>,
      %mul3A_818 = arith.mulf %get3A_817, %get3A_568 : vector<16xf32>
      %add3A_819 = arith.addf %add3A_812, %mul3A_818 : vector<16xf32>
      %get3A_820 = arith.constant 9 : i32
      %get3A_821 = arith.index_cast %get3A_820 : i32 to index
      %get3A_822 = arith.index_cast %scan3A_541 : i32 to index
      %get3A_823 = arith.constant 0 : index
      %get3A_824 = tpu.vector_load %arg8[%get3A_821, %get3A_822, %get3A_823] {strides = array<i32>} : memref<16x44x64xf32, #tpu.memory_space<vmem>>, vector<16xf32>,
      %mul3A_825 = arith.mulf %get3A_824, %get3A_559 : vector<16xf32>
      %add3A_826 = arith.addf %scan3A_551, %mul3A_825 : vector<16xf32>
      %get3A_827 = arith.constant 9 : i32
      %get3A_828 = arith.index_cast %get3A_827 : i32 to index
      %get3A_829 = arith.index_cast %scan3A_541 : i32 to index
      %get3A_830 = arith.constant 16 : index
      %get3A_831 = tpu.vector_load %arg8[%get3A_828, %get3A_829, %get3A_830] {strides = array<i32>} : memref<16x44x64xf32, #tpu.memory_space<vmem>>, vector<16xf32>,
      %mul3A_832 = arith.mulf %get3A_831, %get3A_562 : vector<16xf32>
      %add3A_833 = arith.addf %add3A_826, %mul3A_832 : vector<16xf32>
      %get3A_834 = arith.constant 9 : i32
      %get3A_835 = arith.index_cast %get3A_834 : i32 to index
      %get3A_836 = arith.index_cast %scan3A_541 : i32 to index
      %get3A_837 = arith.constant 32 : index
      %get3A_838 = tpu.vector_load %arg8[%get3A_835, %get3A_836, %get3A_837] {strides = array<i32>} : memref<16x44x64xf32, #tpu.memory_space<vmem>>, vector<16xf32>,
      %mul3A_839 = arith.mulf %get3A_838, %get3A_565 : vector<16xf32>
      %add3A_840 = arith.addf %add3A_833, %mul3A_839 : vector<16xf32>
      %get3A_841 = arith.constant 9 : i32
      %get3A_842 = arith.index_cast %get3A_841 : i32 to index
      %get3A_843 = arith.index_cast %scan3A_541 : i32 to index
      %get3A_844 = arith.constant 48 : index
      %get3A_845 = tpu.vector_load %arg8[%get3A_842, %get3A_843, %get3A_844] {strides = array<i32>} : memref<16x44x64xf32, #tpu.memory_space<vmem>>, vector<16xf32>,
      %mul3A_846 = arith.mulf %get3A_845, %get3A_568 : vector<16xf32>
      %add3A_847 = arith.addf %add3A_840, %mul3A_846 : vector<16xf32>
      %get3A_848 = arith.constant 10 : i32
      %get3A_849 = arith.index_cast %get3A_848 : i32 to index
      %get3A_850 = arith.index_cast %scan3A_541 : i32 to index
      %get3A_851 = arith.constant 0 : index
      %get3A_852 = tpu.vector_load %arg8[%get3A_849, %get3A_850, %get3A_851] {strides = array<i32>} : memref<16x44x64xf32, #tpu.memory_space<vmem>>, vector<16xf32>,
      %mul3A_853 = arith.mulf %get3A_852, %get3A_559 : vector<16xf32>
      %add3A_854 = arith.addf %scan3A_552, %mul3A_853 : vector<16xf32>
      %get3A_855 = arith.constant 10 : i32
      %get3A_856 = arith.index_cast %get3A_855 : i32 to index
      %get3A_857 = arith.index_cast %scan3A_541 : i32 to index
      %get3A_858 = arith.constant 16 : index
      %get3A_859 = tpu.vector_load %arg8[%get3A_856, %get3A_857, %get3A_858] {strides = array<i32>} : memref<16x44x64xf32, #tpu.memory_space<vmem>>, vector<16xf32>,
      %mul3A_860 = arith.mulf %get3A_859, %get3A_562 : vector<16xf32>
      %add3A_861 = arith.addf %add3A_854, %mul3A_860 : vector<16xf32>
      %get3A_862 = arith.constant 10 : i32
      %get3A_863 = arith.index_cast %get3A_862 : i32 to index
      %get3A_864 = arith.index_cast %scan3A_541 : i32 to index
      %get3A_865 = arith.constant 32 : index
      %get3A_866 = tpu.vector_load %arg8[%get3A_863, %get3A_864, %get3A_865] {strides = array<i32>} : memref<16x44x64xf32, #tpu.memory_space<vmem>>, vector<16xf32>,
      %mul3A_867 = arith.mulf %get3A_866, %get3A_565 : vector<16xf32>
      %add3A_868 = arith.addf %add3A_861, %mul3A_867 : vector<16xf32>
      %get3A_869 = arith.constant 10 : i32
      %get3A_870 = arith.index_cast %get3A_869 : i32 to index
      %get3A_871 = arith.index_cast %scan3A_541 : i32 to index
      %get3A_872 = arith.constant 48 : index
      %get3A_873 = tpu.vector_load %arg8[%get3A_870, %get3A_871, %get3A_872] {strides = array<i32>} : memref<16x44x64xf32, #tpu.memory_space<vmem>>, vector<16xf32>,
      %mul3A_874 = arith.mulf %get3A_873, %get3A_568 : vector<16xf32>
      %add3A_875 = arith.addf %add3A_868, %mul3A_874 : vector<16xf32>
      %get3A_876 = arith.constant 11 : i32
      %get3A_877 = arith.index_cast %get3A_876 : i32 to index
      %get3A_878 = arith.index_cast %scan3A_541 : i32 to index
      %get3A_879 = arith.constant 0 : index
      %get3A_880 = tpu.vector_load %arg8[%get3A_877, %get3A_878, %get3A_879] {strides = array<i32>} : memref<16x44x64xf32, #tpu.memory_space<vmem>>, vector<16xf32>,
      %mul3A_881 = arith.mulf %get3A_880, %get3A_559 : vector<16xf32>
      %add3A_882 = arith.addf %scan3A_553, %mul3A_881 : vector<16xf32>
      %get3A_883 = arith.constant 11 : i32
      %get3A_884 = arith.index_cast %get3A_883 : i32 to index
      %get3A_885 = arith.index_cast %scan3A_541 : i32 to index
      %get3A_886 = arith.constant 16 : index
      %get3A_887 = tpu.vector_load %arg8[%get3A_884, %get3A_885, %get3A_886] {strides = array<i32>} : memref<16x44x64xf32, #tpu.memory_space<vmem>>, vector<16xf32>,
      %mul3A_888 = arith.mulf %get3A_887, %get3A_562 : vector<16xf32>
      %add3A_889 = arith.addf %add3A_882, %mul3A_888 : vector<16xf32>
      %get3A_890 = arith.constant 11 : i32
      %get3A_891 = arith.index_cast %get3A_890 : i32 to index
      %get3A_892 = arith.index_cast %scan3A_541 : i32 to index
      %get3A_893 = arith.constant 32 : index
      %get3A_894 = tpu.vector_load %arg8[%get3A_891, %get3A_892, %get3A_893] {strides = array<i32>} : memref<16x44x64xf32, #tpu.memory_space<vmem>>, vector<16xf32>,
      %mul3A_895 = arith.mulf %get3A_894, %get3A_565 : vector<16xf32>
      %add3A_896 = arith.addf %add3A_889, %mul3A_895 : vector<16xf32>
      %get3A_897 = arith.constant 11 : i32
      %get3A_898 = arith.index_cast %get3A_897 : i32 to index
      %get3A_899 = arith.index_cast %scan3A_541 : i32 to index
      %get3A_900 = arith.constant 48 : index
      %get3A_901 = tpu.vector_load %arg8[%get3A_898, %get3A_899, %get3A_900] {strides = array<i32>} : memref<16x44x64xf32, #tpu.memory_space<vmem>>, vector<16xf32>,
      %mul3A_902 = arith.mulf %get3A_901, %get3A_568 : vector<16xf32>
      %add3A_903 = arith.addf %add3A_896, %mul3A_902 : vector<16xf32>
      %get3A_904 = arith.constant 12 : i32
      %get3A_905 = arith.index_cast %get3A_904 : i32 to index
      %get3A_906 = arith.index_cast %scan3A_541 : i32 to index
      %get3A_907 = arith.constant 0 : index
      %get3A_908 = tpu.vector_load %arg8[%get3A_905, %get3A_906, %get3A_907] {strides = array<i32>} : memref<16x44x64xf32, #tpu.memory_space<vmem>>, vector<16xf32>,
      %mul3A_909 = arith.mulf %get3A_908, %get3A_559 : vector<16xf32>
      %add3A_910 = arith.addf %scan3A_554, %mul3A_909 : vector<16xf32>
      %get3A_911 = arith.constant 12 : i32
      %get3A_912 = arith.index_cast %get3A_911 : i32 to index
      %get3A_913 = arith.index_cast %scan3A_541 : i32 to index
      %get3A_914 = arith.constant 16 : index
      %get3A_915 = tpu.vector_load %arg8[%get3A_912, %get3A_913, %get3A_914] {strides = array<i32>} : memref<16x44x64xf32, #tpu.memory_space<vmem>>, vector<16xf32>,
      %mul3A_916 = arith.mulf %get3A_915, %get3A_562 : vector<16xf32>
      %add3A_917 = arith.addf %add3A_910, %mul3A_916 : vector<16xf32>
      %get3A_918 = arith.constant 12 : i32
      %get3A_919 = arith.index_cast %get3A_918 : i32 to index
      %get3A_920 = arith.index_cast %scan3A_541 : i32 to index
      %get3A_921 = arith.constant 32 : index
      %get3A_922 = tpu.vector_load %arg8[%get3A_919, %get3A_920, %get3A_921] {strides = array<i32>} : memref<16x44x64xf32, #tpu.memory_space<vmem>>, vector<16xf32>,
      %mul3A_923 = arith.mulf %get3A_922, %get3A_565 : vector<16xf32>
      %add3A_924 = arith.addf %add3A_917, %mul3A_923 : vector<16xf32>
      %get3A_925 = arith.constant 12 : i32
      %get3A_926 = arith.index_cast %get3A_925 : i32 to index
      %get3A_927 = arith.index_cast %scan3A_541 : i32 to index
      %get3A_928 = arith.constant 48 : index
      %get3A_929 = tpu.vector_load %arg8[%get3A_926, %get3A_927, %get3A_928] {strides = array<i32>} : memref<16x44x64xf32, #tpu.memory_space<vmem>>, vector<16xf32>,
      %mul3A_930 = arith.mulf %get3A_929, %get3A_568 : vector<16xf32>
      %add3A_931 = arith.addf %add3A_924, %mul3A_930 : vector<16xf32>
      %get3A_932 = arith.constant 13 : i32
      %get3A_933 = arith.index_cast %get3A_932 : i32 to index
      %get3A_934 = arith.index_cast %scan3A_541 : i32 to index
      %get3A_935 = arith.constant 0 : index
      %get3A_936 = tpu.vector_load %arg8[%get3A_933, %get3A_934, %get3A_935] {strides = array<i32>} : memref<16x44x64xf32, #tpu.memory_space<vmem>>, vector<16xf32>,
      %mul3A_937 = arith.mulf %get3A_936, %get3A_559 : vector<16xf32>
      %add3A_938 = arith.addf %scan3A_555, %mul3A_937 : vector<16xf32>
      %get3A_939 = arith.constant 13 : i32
      %get3A_940 = arith.index_cast %get3A_939 : i32 to index
      %get3A_941 = arith.index_cast %scan3A_541 : i32 to index
      %get3A_942 = arith.constant 16 : index
      %get3A_943 = tpu.vector_load %arg8[%get3A_940, %get3A_941, %get3A_942] {strides = array<i32>} : memref<16x44x64xf32, #tpu.memory_space<vmem>>, vector<16xf32>,
      %mul3A_944 = arith.mulf %get3A_943, %get3A_562 : vector<16xf32>
      %add3A_945 = arith.addf %add3A_938, %mul3A_944 : vector<16xf32>
      %get3A_946 = arith.constant 13 : i32
      %get3A_947 = arith.index_cast %get3A_946 : i32 to index
      %get3A_948 = arith.index_cast %scan3A_541 : i32 to index
      %get3A_949 = arith.constant 32 : index
      %get3A_950 = tpu.vector_load %arg8[%get3A_947, %get3A_948, %get3A_949] {strides = array<i32>} : memref<16x44x64xf32, #tpu.memory_space<vmem>>, vector<16xf32>,
      %mul3A_951 = arith.mulf %get3A_950, %get3A_565 : vector<16xf32>
      %add3A_952 = arith.addf %add3A_945, %mul3A_951 : vector<16xf32>
      %get3A_953 = arith.constant 13 : i32
      %get3A_954 = arith.index_cast %get3A_953 : i32 to index
      %get3A_955 = arith.index_cast %scan3A_541 : i32 to index
      %get3A_956 = arith.constant 48 : index
      %get3A_957 = tpu.vector_load %arg8[%get3A_954, %get3A_955, %get3A_956] {strides = array<i32>} : memref<16x44x64xf32, #tpu.memory_space<vmem>>, vector<16xf32>,
      %mul3A_958 = arith.mulf %get3A_957, %get3A_568 : vector<16xf32>
      %add3A_959 = arith.addf %add3A_952, %mul3A_958 : vector<16xf32>
      %get3A_960 = arith.constant 14 : i32
      %get3A_961 = arith.index_cast %get3A_960 : i32 to index
      %get3A_962 = arith.index_cast %scan3A_541 : i32 to index
      %get3A_963 = arith.constant 0 : index
      %get3A_964 = tpu.vector_load %arg8[%get3A_961, %get3A_962, %get3A_963] {strides = array<i32>} : memref<16x44x64xf32, #tpu.memory_space<vmem>>, vector<16xf32>,
      %mul3A_965 = arith.mulf %get3A_964, %get3A_559 : vector<16xf32>
      %add3A_966 = arith.addf %scan3A_556, %mul3A_965 : vector<16xf32>
      %get3A_967 = arith.constant 14 : i32
      %get3A_968 = arith.index_cast %get3A_967 : i32 to index
      %get3A_969 = arith.index_cast %scan3A_541 : i32 to index
      %get3A_970 = arith.constant 16 : index
      %get3A_971 = tpu.vector_load %arg8[%get3A_968, %get3A_969, %get3A_970] {strides = array<i32>} : memref<16x44x64xf32, #tpu.memory_space<vmem>>, vector<16xf32>,
      %mul3A_972 = arith.mulf %get3A_971, %get3A_562 : vector<16xf32>
      %add3A_973 = arith.addf %add3A_966, %mul3A_972 : vector<16xf32>
      %get3A_974 = arith.constant 14 : i32
      %get3A_975 = arith.index_cast %get3A_974 : i32 to index
      %get3A_976 = arith.index_cast %scan3A_541 : i32 to index
      %get3A_977 = arith.constant 32 : index
      %get3A_978 = tpu.vector_load %arg8[%get3A_975, %get3A_976, %get3A_977] {strides = array<i32>} : memref<16x44x64xf32, #tpu.memory_space<vmem>>, vector<16xf32>,
      %mul3A_979 = arith.mulf %get3A_978, %get3A_565 : vector<16xf32>
      %add3A_980 = arith.addf %add3A_973, %mul3A_979 : vector<16xf32>
      %get3A_981 = arith.constant 14 : i32
      %get3A_982 = arith.index_cast %get3A_981 : i32 to index
      %get3A_983 = arith.index_cast %scan3A_541 : i32 to index
      %get3A_984 = arith.constant 48 : index
      %get3A_985 = tpu.vector_load %arg8[%get3A_982, %get3A_983, %get3A_984] {strides = array<i32>} : memref<16x44x64xf32, #tpu.memory_space<vmem>>, vector<16xf32>,
      %mul3A_986 = arith.mulf %get3A_985, %get3A_568 : vector<16xf32>
      %add3A_987 = arith.addf %add3A_980, %mul3A_986 : vector<16xf32>
      %get3A_988 = arith.constant 15 : i32
      %get3A_989 = arith.index_cast %get3A_988 : i32 to index
      %get3A_990 = arith.index_cast %scan3A_541 : i32 to index
      %get3A_991 = arith.constant 0 : index
      %get3A_992 = tpu.vector_load %arg8[%get3A_989, %get3A_990, %get3A_991] {strides = array<i32>} : memref<16x44x64xf32, #tpu.memory_space<vmem>>, vector<16xf32>,
      %mul3A_993 = arith.mulf %get3A_992, %get3A_559 : vector<16xf32>
      %add3A_994 = arith.addf %scan3A_557, %mul3A_993 : vector<16xf32>
      %get3A_995 = arith.constant 15 : i32
      %get3A_996 = arith.index_cast %get3A_995 : i32 to index
      %get3A_997 = arith.index_cast %scan3A_541 : i32 to index
      %get3A_998 = arith.constant 16 : index
      %get3A_999 = tpu.vector_load %arg8[%get3A_996, %get3A_997, %get3A_998] {strides = array<i32>} : memref<16x44x64xf32, #tpu.memory_space<vmem>>, vector<16xf32>,
      %mul3A_1000 = arith.mulf %get3A_999, %get3A_562 : vector<16xf32>
      %add3A_1001 = arith.addf %add3A_994, %mul3A_1000 : vector<16xf32>
      %get3A_1002 = arith.constant 15 : i32
      %get3A_1003 = arith.index_cast %get3A_1002 : i32 to index
      %get3A_1004 = arith.index_cast %scan3A_541 : i32 to index
      %get3A_1005 = arith.constant 32 : index
      %get3A_1006 = tpu.vector_load %arg8[%get3A_1003, %get3A_1004, %get3A_1005] {strides = array<i32>} : memref<16x44x64xf32, #tpu.memory_space<vmem>>, vector<16xf32>,
      %mul3A_1007 = arith.mulf %get3A_1006, %get3A_565 : vector<16xf32>
      %add3A_1008 = arith.addf %add3A_1001, %mul3A_1007 : vector<16xf32>
      %get3A_1009 = arith.constant 15 : i32
      %get3A_1010 = arith.index_cast %get3A_1009 : i32 to index
      %get3A_1011 = arith.index_cast %scan3A_541 : i32 to index
      %get3A_1012 = arith.constant 48 : index
      %get3A_1013 = tpu.vector_load %arg8[%get3A_1010, %get3A_1011, %get3A_1012] {strides = array<i32>} : memref<16x44x64xf32, #tpu.memory_space<vmem>>, vector<16xf32>,
      %mul3A_1014 = arith.mulf %get3A_1013, %get3A_568 : vector<16xf32>
      %add3A_1015 = arith.addf %add3A_1008, %mul3A_1014 : vector<16xf32>
      scf.yield %add3A_595, %add3A_623, %add3A_651, %add3A_679, %add3A_707, %add3A_735, %add3A_763, %add3A_791, %add3A_819, %add3A_847, %add3A_875, %add3A_903, %add3A_931, %add3A_959, %add3A_987, %add3A_1015 : vector<16xf32>, vector<16xf32>, vector<16xf32>, vector<16xf32>, vector<16xf32>, vector<16xf32>, vector<16xf32>, vector<16xf32>, vector<16xf32>, vector<16xf32>, vector<16xf32>, vector<16xf32>, vector<16xf32>, vector<16xf32>, vector<16xf32>, vector<16xf32>
    }
    %scan3A_390 = arith.constant 44 : i32
    %iota3A = tpu.iota {dimensions = array<i32: 0>} : vector<16xi32>
    %eq3A_391 = arith.constant 0 : i32
    %eq3A_392 = vector.broadcast %eq3A_391 : i32 to vector<16xi32>
    %eq3A_393 = arith.cmpi eq, %iota3A, %eq3A_392 : vector<16xi32>
    %reduce_sum3A = arith.constant true
    %reduce_sum3A_394 = vector.broadcast %reduce_sum3A : i1 to vector<16xi1>
    %reduce_sum3A_395 = tpu.scan <sum>, %scan3A_389#0 masked %reduce_sum3A_394 : vector<16xf32>, vector<16xi1> -> vector<16xf32>
    %reduce_sum3A_396 = vector.extract %reduce_sum3A_395[15] : f32 from vector<16xf32>
    %broadcast_in_dim3A_397 = vector.broadcast %reduce_sum3A_396 : f32 to vector<16xf32>
    %select_n3A = arith.select %eq3A_393, %broadcast_in_dim3A_397, %broadcast_in_dim3A_385 : vector<16xi1>, vector<16xf32>
    %eq3A_398 = arith.constant 1 : i32
    %eq3A_399 = vector.broadcast %eq3A_398 : i32 to vector<16xi32>
    %eq3A_400 = arith.cmpi eq, %iota3A, %eq3A_399 : vector<16xi32>
    %reduce_sum3A_401 = arith.constant true
    %reduce_sum3A_402 = vector.broadcast %reduce_sum3A_401 : i1 to vector<16xi1>
    %reduce_sum3A_403 = tpu.scan <sum>, %scan3A_389#1 masked %reduce_sum3A_402 : vector<16xf32>, vector<16xi1> -> vector<16xf32>
    %reduce_sum3A_404 = vector.extract %reduce_sum3A_403[15] : f32 from vector<16xf32>
    %broadcast_in_dim3A_405 = vector.broadcast %reduce_sum3A_404 : f32 to vector<16xf32>
    %select_n3A_406 = arith.select %eq3A_400, %broadcast_in_dim3A_405, %select_n3A : vector<16xi1>, vector<16xf32>
    %eq3A_407 = arith.constant 2 : i32
    %eq3A_408 = vector.broadcast %eq3A_407 : i32 to vector<16xi32>
    %eq3A_409 = arith.cmpi eq, %iota3A, %eq3A_408 : vector<16xi32>
    %reduce_sum3A_410 = arith.constant true
    %reduce_sum3A_411 = vector.broadcast %reduce_sum3A_410 : i1 to vector<16xi1>
    %reduce_sum3A_412 = tpu.scan <sum>, %scan3A_389#2 masked %reduce_sum3A_411 : vector<16xf32>, vector<16xi1> -> vector<16xf32>
    %reduce_sum3A_413 = vector.extract %reduce_sum3A_412[15] : f32 from vector<16xf32>
    %broadcast_in_dim3A_414 = vector.broadcast %reduce_sum3A_413 : f32 to vector<16xf32>
    %select_n3A_415 = arith.select %eq3A_409, %broadcast_in_dim3A_414, %select_n3A_406 : vector<16xi1>, vector<16xf32>
    %eq3A_416 = arith.constant 3 : i32
    %eq3A_417 = vector.broadcast %eq3A_416 : i32 to vector<16xi32>
    %eq3A_418 = arith.cmpi eq, %iota3A, %eq3A_417 : vector<16xi32>
    %reduce_sum3A_419 = arith.constant true
    %reduce_sum3A_420 = vector.broadcast %reduce_sum3A_419 : i1 to vector<16xi1>
    %reduce_sum3A_421 = tpu.scan <sum>, %scan3A_389#3 masked %reduce_sum3A_420 : vector<16xf32>, vector<16xi1> -> vector<16xf32>
    %reduce_sum3A_422 = vector.extract %reduce_sum3A_421[15] : f32 from vector<16xf32>
    %broadcast_in_dim3A_423 = vector.broadcast %reduce_sum3A_422 : f32 to vector<16xf32>
    %select_n3A_424 = arith.select %eq3A_418, %broadcast_in_dim3A_423, %select_n3A_415 : vector<16xi1>, vector<16xf32>
    %eq3A_425 = arith.constant 4 : i32
    %eq3A_426 = vector.broadcast %eq3A_425 : i32 to vector<16xi32>
    %eq3A_427 = arith.cmpi eq, %iota3A, %eq3A_426 : vector<16xi32>
    %reduce_sum3A_428 = arith.constant true
    %reduce_sum3A_429 = vector.broadcast %reduce_sum3A_428 : i1 to vector<16xi1>
    %reduce_sum3A_430 = tpu.scan <sum>, %scan3A_389#4 masked %reduce_sum3A_429 : vector<16xf32>, vector<16xi1> -> vector<16xf32>
    %reduce_sum3A_431 = vector.extract %reduce_sum3A_430[15] : f32 from vector<16xf32>
    %broadcast_in_dim3A_432 = vector.broadcast %reduce_sum3A_431 : f32 to vector<16xf32>
    %select_n3A_433 = arith.select %eq3A_427, %broadcast_in_dim3A_432, %select_n3A_424 : vector<16xi1>, vector<16xf32>
    %eq3A_434 = arith.constant 5 : i32
    %eq3A_435 = vector.broadcast %eq3A_434 : i32 to vector<16xi32>
    %eq3A_436 = arith.cmpi eq, %iota3A, %eq3A_435 : vector<16xi32>
    %reduce_sum3A_437 = arith.constant true
    %reduce_sum3A_438 = vector.broadcast %reduce_sum3A_437 : i1 to vector<16xi1>
    %reduce_sum3A_439 = tpu.scan <sum>, %scan3A_389#5 masked %reduce_sum3A_438 : vector<16xf32>, vector<16xi1> -> vector<16xf32>
    %reduce_sum3A_440 = vector.extract %reduce_sum3A_439[15] : f32 from vector<16xf32>
    %broadcast_in_dim3A_441 = vector.broadcast %reduce_sum3A_440 : f32 to vector<16xf32>
    %select_n3A_442 = arith.select %eq3A_436, %broadcast_in_dim3A_441, %select_n3A_433 : vector<16xi1>, vector<16xf32>
    %eq3A_443 = arith.constant 6 : i32
    %eq3A_444 = vector.broadcast %eq3A_443 : i32 to vector<16xi32>
    %eq3A_445 = arith.cmpi eq, %iota3A, %eq3A_444 : vector<16xi32>
    %reduce_sum3A_446 = arith.constant true
    %reduce_sum3A_447 = vector.broadcast %reduce_sum3A_446 : i1 to vector<16xi1>
    %reduce_sum3A_448 = tpu.scan <sum>, %scan3A_389#6 masked %reduce_sum3A_447 : vector<16xf32>, vector<16xi1> -> vector<16xf32>
    %reduce_sum3A_449 = vector.extract %reduce_sum3A_448[15] : f32 from vector<16xf32>
    %broadcast_in_dim3A_450 = vector.broadcast %reduce_sum3A_449 : f32 to vector<16xf32>
    %select_n3A_451 = arith.select %eq3A_445, %broadcast_in_dim3A_450, %select_n3A_442 : vector<16xi1>, vector<16xf32>
    %eq3A_452 = arith.constant 7 : i32
    %eq3A_453 = vector.broadcast %eq3A_452 : i32 to vector<16xi32>
    %eq3A_454 = arith.cmpi eq, %iota3A, %eq3A_453 : vector<16xi32>
    %reduce_sum3A_455 = arith.constant true
    %reduce_sum3A_456 = vector.broadcast %reduce_sum3A_455 : i1 to vector<16xi1>
    %reduce_sum3A_457 = tpu.scan <sum>, %scan3A_389#7 masked %reduce_sum3A_456 : vector<16xf32>, vector<16xi1> -> vector<16xf32>
    %reduce_sum3A_458 = vector.extract %reduce_sum3A_457[15] : f32 from vector<16xf32>
    %broadcast_in_dim3A_459 = vector.broadcast %reduce_sum3A_458 : f32 to vector<16xf32>
    %select_n3A_460 = arith.select %eq3A_454, %broadcast_in_dim3A_459, %select_n3A_451 : vector<16xi1>, vector<16xf32>
    %eq3A_461 = arith.constant 8 : i32
    %eq3A_462 = vector.broadcast %eq3A_461 : i32 to vector<16xi32>
    %eq3A_463 = arith.cmpi eq, %iota3A, %eq3A_462 : vector<16xi32>
    %reduce_sum3A_464 = arith.constant true
    %reduce_sum3A_465 = vector.broadcast %reduce_sum3A_464 : i1 to vector<16xi1>
    %reduce_sum3A_466 = tpu.scan <sum>, %scan3A_389#8 masked %reduce_sum3A_465 : vector<16xf32>, vector<16xi1> -> vector<16xf32>
    %reduce_sum3A_467 = vector.extract %reduce_sum3A_466[15] : f32 from vector<16xf32>
    %broadcast_in_dim3A_468 = vector.broadcast %reduce_sum3A_467 : f32 to vector<16xf32>
    %select_n3A_469 = arith.select %eq3A_463, %broadcast_in_dim3A_468, %select_n3A_460 : vector<16xi1>, vector<16xf32>
    %eq3A_470 = arith.constant 9 : i32
    %eq3A_471 = vector.broadcast %eq3A_470 : i32 to vector<16xi32>
    %eq3A_472 = arith.cmpi eq, %iota3A, %eq3A_471 : vector<16xi32>
    %reduce_sum3A_473 = arith.constant true
    %reduce_sum3A_474 = vector.broadcast %reduce_sum3A_473 : i1 to vector<16xi1>
    %reduce_sum3A_475 = tpu.scan <sum>, %scan3A_389#9 masked %reduce_sum3A_474 : vector<16xf32>, vector<16xi1> -> vector<16xf32>
    %reduce_sum3A_476 = vector.extract %reduce_sum3A_475[15] : f32 from vector<16xf32>
    %broadcast_in_dim3A_477 = vector.broadcast %reduce_sum3A_476 : f32 to vector<16xf32>
    %select_n3A_478 = arith.select %eq3A_472, %broadcast_in_dim3A_477, %select_n3A_469 : vector<16xi1>, vector<16xf32>
    %eq3A_479 = arith.constant 10 : i32
    %eq3A_480 = vector.broadcast %eq3A_479 : i32 to vector<16xi32>
    %eq3A_481 = arith.cmpi eq, %iota3A, %eq3A_480 : vector<16xi32>
    %reduce_sum3A_482 = arith.constant true
    %reduce_sum3A_483 = vector.broadcast %reduce_sum3A_482 : i1 to vector<16xi1>
    %reduce_sum3A_484 = tpu.scan <sum>, %scan3A_389#10 masked %reduce_sum3A_483 : vector<16xf32>, vector<16xi1> -> vector<16xf32>
    %reduce_sum3A_485 = vector.extract %reduce_sum3A_484[15] : f32 from vector<16xf32>
    %broadcast_in_dim3A_486 = vector.broadcast %reduce_sum3A_485 : f32 to vector<16xf32>
    %select_n3A_487 = arith.select %eq3A_481, %broadcast_in_dim3A_486, %select_n3A_478 : vector<16xi1>, vector<16xf32>
    %eq3A_488 = arith.constant 11 : i32
    %eq3A_489 = vector.broadcast %eq3A_488 : i32 to vector<16xi32>
    %eq3A_490 = arith.cmpi eq, %iota3A, %eq3A_489 : vector<16xi32>
    %reduce_sum3A_491 = arith.constant true
    %reduce_sum3A_492 = vector.broadcast %reduce_sum3A_491 : i1 to vector<16xi1>
    %reduce_sum3A_493 = tpu.scan <sum>, %scan3A_389#11 masked %reduce_sum3A_492 : vector<16xf32>, vector<16xi1> -> vector<16xf32>
    %reduce_sum3A_494 = vector.extract %reduce_sum3A_493[15] : f32 from vector<16xf32>
    %broadcast_in_dim3A_495 = vector.broadcast %reduce_sum3A_494 : f32 to vector<16xf32>
    %select_n3A_496 = arith.select %eq3A_490, %broadcast_in_dim3A_495, %select_n3A_487 : vector<16xi1>, vector<16xf32>
    %eq3A_497 = arith.constant 12 : i32
    %eq3A_498 = vector.broadcast %eq3A_497 : i32 to vector<16xi32>
    %eq3A_499 = arith.cmpi eq, %iota3A, %eq3A_498 : vector<16xi32>
    %reduce_sum3A_500 = arith.constant true
    %reduce_sum3A_501 = vector.broadcast %reduce_sum3A_500 : i1 to vector<16xi1>
    %reduce_sum3A_502 = tpu.scan <sum>, %scan3A_389#12 masked %reduce_sum3A_501 : vector<16xf32>, vector<16xi1> -> vector<16xf32>
    %reduce_sum3A_503 = vector.extract %reduce_sum3A_502[15] : f32 from vector<16xf32>
    %broadcast_in_dim3A_504 = vector.broadcast %reduce_sum3A_503 : f32 to vector<16xf32>
    %select_n3A_505 = arith.select %eq3A_499, %broadcast_in_dim3A_504, %select_n3A_496 : vector<16xi1>, vector<16xf32>
    %eq3A_506 = arith.constant 13 : i32
    %eq3A_507 = vector.broadcast %eq3A_506 : i32 to vector<16xi32>
    %eq3A_508 = arith.cmpi eq, %iota3A, %eq3A_507 : vector<16xi32>
    %reduce_sum3A_509 = arith.constant true
    %reduce_sum3A_510 = vector.broadcast %reduce_sum3A_509 : i1 to vector<16xi1>
    %reduce_sum3A_511 = tpu.scan <sum>, %scan3A_389#13 masked %reduce_sum3A_510 : vector<16xf32>, vector<16xi1> -> vector<16xf32>
    %reduce_sum3A_512 = vector.extract %reduce_sum3A_511[15] : f32 from vector<16xf32>
    %broadcast_in_dim3A_513 = vector.broadcast %reduce_sum3A_512 : f32 to vector<16xf32>
    %select_n3A_514 = arith.select %eq3A_508, %broadcast_in_dim3A_513, %select_n3A_505 : vector<16xi1>, vector<16xf32>
    %eq3A_515 = arith.constant 14 : i32
    %eq3A_516 = vector.broadcast %eq3A_515 : i32 to vector<16xi32>
    %eq3A_517 = arith.cmpi eq, %iota3A, %eq3A_516 : vector<16xi32>
    %reduce_sum3A_518 = arith.constant true
    %reduce_sum3A_519 = vector.broadcast %reduce_sum3A_518 : i1 to vector<16xi1>
    %reduce_sum3A_520 = tpu.scan <sum>, %scan3A_389#14 masked %reduce_sum3A_519 : vector<16xf32>, vector<16xi1> -> vector<16xf32>
    %reduce_sum3A_521 = vector.extract %reduce_sum3A_520[15] : f32 from vector<16xf32>
    %broadcast_in_dim3A_522 = vector.broadcast %reduce_sum3A_521 : f32 to vector<16xf32>
    %select_n3A_523 = arith.select %eq3A_517, %broadcast_in_dim3A_522, %select_n3A_514 : vector<16xi1>, vector<16xf32>
    %eq3A_524 = arith.constant 15 : i32
    %eq3A_525 = vector.broadcast %eq3A_524 : i32 to vector<16xi32>
    %eq3A_526 = arith.cmpi eq, %iota3A, %eq3A_525 : vector<16xi32>
    %reduce_sum3A_527 = arith.constant true
    %reduce_sum3A_528 = vector.broadcast %reduce_sum3A_527 : i1 to vector<16xi1>
    %reduce_sum3A_529 = tpu.scan <sum>, %scan3A_389#15 masked %reduce_sum3A_528 : vector<16xf32>, vector<16xi1> -> vector<16xf32>
    %reduce_sum3A_530 = vector.extract %reduce_sum3A_529[15] : f32 from vector<16xf32>
    %broadcast_in_dim3A_531 = vector.broadcast %reduce_sum3A_530 : f32 to vector<16xf32>
    %select_n3A_532 = arith.select %eq3A_526, %broadcast_in_dim3A_531, %select_n3A_523 : vector<16xi1>, vector<16xf32>
    %swap3A = arith.constant 0 : index
    %swap3A_533 = tpu.vector_load %arg11[%swap3A] {strides = array<i32>} : memref<16xf32, #tpu.memory_space<vmem>>, vector<16xf32>,
    tpu.vector_store %arg11[%swap3A], %select_n3A_532 {strides = array<i32>} : memref<16xf32, #tpu.memory_space<vmem>>, vector<16xf32>,
    %barrier3A = arith.constant 0 : index
    tpu.barrier barrier_id(%barrier3A)
    %iota3A_534 = tpu.iota {dimensions = array<i32: 0>} : vector<16xi32>
    "tpu.region"() ({
      %run_scoped3A = tpu.sem_alloc : memref<!tpu.dma_semaphore, #tpu.memory_space<semaphore_mem>>
      %dma_start3A_541 = arith.constant 0 : i32
      %dma_start3A_542 = tpu.memref_slice %arg13[%dma_start3A_541] : memref<16xf32, #tpu.memory_space<vmem_shared>> -> memref<16xf32, #tpu.memory_space<vmem_shared>>
      tpu.enqueue_indirect_dma source(%arg11 : memref<16xf32, #tpu.memory_space<vmem>>) target(%dma_start3A_542 : memref<16xf32, #tpu.memory_space<vmem_shared>>) offsets(%iota3A_534 : vector<16xi32>) semaphore(%run_scoped3A : memref<!tpu.dma_semaphore, #tpu.memory_space<semaphore_mem>>) {add = true}
      %dma_wait3A_543 = arith.constant 0 : i32
      %dma_wait3A_544 = tpu.memref_slice %arg13[%dma_wait3A_543] : memref<16xf32, #tpu.memory_space<vmem_shared>> -> memref<16xf32, #tpu.memory_space<vmem_shared>>
      tpu.wait_indirect_dma semaphore(%run_scoped3A : memref<!tpu.dma_semaphore, #tpu.memory_space<semaphore_mem>>) src(%arg11 : memref<16xf32, #tpu.memory_space<vmem>>) dst(%dma_wait3A_544 : memref<16xf32, #tpu.memory_space<vmem_shared>>)
      tpu.yield
    }) : () -> ()
    %barrier3A_535 = arith.constant 0 : index
    tpu.barrier barrier_id(%barrier3A_535)
    %eq3A_536 = arith.constant 0 : i32
    %eq3A_537 = arith.cmpi eq, %arg1, %eq3A_536 : i32
    %convert_element_type3A_538 = arith.extui %eq3A_537 : i1 to i32
    %cond3A_539 = arith.constant 0 : i32
    %cond3A_540 = arith.cmpi ne, %convert_element_type3A_538, %cond3A_539 : i32
    scf.if %cond3A_540 {
      "tpu.region"() ({
        %run_scoped3A = tpu.sem_alloc : memref<!tpu.dma_semaphore, #tpu.memory_space<semaphore_mem>>
        tpu.enqueue_dma source(%arg13 : memref<16xf32, #tpu.memory_space<vmem_shared>>) target(%arg12 : memref<16xf32, #tpu.memory_space<vmem>>) target_semaphore(%run_scoped3A : memref<!tpu.dma_semaphore, #tpu.memory_space<semaphore_mem>>)
        tpu.wait_dma2 semaphore(%run_scoped3A : memref<!tpu.dma_semaphore, #tpu.memory_space<semaphore_mem>>) src(%arg13 : memref<16xf32, #tpu.memory_space<vmem_shared>>) dst(%arg12 : memref<16xf32, #tpu.memory_space<vmem>>)
        tpu.yield
      }) : () -> ()
      %get3A = arith.constant 0 : index
      %get3A_541 = tpu.vector_load %arg12[%get3A] {strides = array<i32>} : memref<16xf32, #tpu.memory_space<vmem>>, vector<16xf32>,
      %get3A_542 = arith.constant 0 : index
      %get3A_543 = tpu.vector_load %arg10[%get3A_542] {strides = array<i32>} : memref<16xf32, #tpu.memory_space<vmem>>, vector<16xf32>,
      %add3A = arith.addf %get3A_541, %get3A_543 : vector<16xf32>
      %neg3A = arith.constant 0.000000e+00 : f32
      %neg3A_544 = vector.broadcast %neg3A : f32 to vector<16xf32>
      %neg3A_545 = arith.subf %neg3A_544, %add3A : vector<16xf32>
      %exp3A = math.exp %neg3A_545 : vector<16xf32>
      %add3A_546 = arith.constant 1.000000e+00 : f32
      %add3A_547 = vector.broadcast %add3A_546 : f32 to vector<16xf32>
      %add3A_548 = arith.addf %add3A_547, %exp3A : vector<16xf32>
      %div3A = arith.constant 1.000000e+00 : f32
      %div3A_549 = vector.broadcast %div3A : f32 to vector<16xf32>
      %div3A_550 = arith.divf %div3A_549, %add3A_548 : vector<16xf32>
      %swap3A_551 = arith.constant 0 : index
      %swap3A_552 = tpu.vector_load %arg12[%swap3A_551] {strides = array<i32>} : memref<16xf32, #tpu.memory_space<vmem>>, vector<16xf32>,
      tpu.vector_store %arg12[%swap3A_551], %div3A_550 {strides = array<i32>} : memref<16xf32, #tpu.memory_space<vmem>>, vector<16xf32>,
      %mul3A_553 = arith.constant 16 : i32
      %mul3A_554 = arith.muli %arg0, %mul3A_553 : i32
      %multiple_of3A_555 = tpu.assume_multiple %mul3A_554, 16 : i32
      "tpu.region"() ({
        %run_scoped3A = tpu.sem_alloc : memref<!tpu.dma_semaphore, #tpu.memory_space<semaphore_mem>>
        %dma_start3A_556 = tpu.memref_slice %arg6[%multiple_of3A_555] : memref<32xf32, #tpu.memory_space<hbm>> -> memref<16xf32, #tpu.memory_space<hbm>>
        %dma_start3A_557 = tpu.memref_slice %arg6[%multiple_of3A_555] : memref<32xf32, #tpu.memory_space<hbm>> -> memref<16xf32, #tpu.memory_space<hbm>>
        tpu.enqueue_dma source(%arg12 : memref<16xf32, #tpu.memory_space<vmem>>) target(%dma_start3A_557 : memref<16xf32, #tpu.memory_space<hbm>>) target_semaphore(%run_scoped3A : memref<!tpu.dma_semaphore, #tpu.memory_space<semaphore_mem>>)
        %dma_wait3A_558 = tpu.memref_slice %arg6[%multiple_of3A_555] : memref<32xf32, #tpu.memory_space<hbm>> -> memref<16xf32, #tpu.memory_space<hbm>>
        %dma_wait3A_559 = tpu.memref_slice %arg6[%multiple_of3A_555] : memref<32xf32, #tpu.memory_space<hbm>> -> memref<16xf32, #tpu.memory_space<hbm>>
        tpu.wait_dma2 semaphore(%run_scoped3A : memref<!tpu.dma_semaphore, #tpu.memory_space<semaphore_mem>>) src(%arg12 : memref<16xf32, #tpu.memory_space<vmem>>) dst(%dma_wait3A_559 : memref<16xf32, #tpu.memory_space<hbm>>)
        tpu.yield
      }) : () -> ()
    } else {
    }
    return
  }
}

</mosaic_0001>

<sc_bundles>
// kernel: kernel.3.cloned.1.call-start
scs
__scs_entry_jumppad:
0x0: {  	(pc) =	sbr.rel $0x88, $3  }
0x1: {  	(tag) =	ssettag $0x0;
	lr =	simm.s32 $0x1  }
0x2: {  	[smem:$0x3F9D] =	sst lr;
	_ =	strace $0xD0000000  }
0x3: {  	_ = 	snop  }
0x4: {  	_ = 	snop  }
0x5: {  	_ = 	snop  }
0x6: {  	_ = 	snop  }
0x7: {  	_ = 	snop  }
__scs_overlays_trampoline_lowered:
0x8: {  	[smem:$0x3FAC] =	sst s0  }
0x9: {  	[smem:$0x3FAD] =	sst s1  }
0xa: {  	[smem:$0x3FAE] =	sst s2  }
0xb: {  	[smem:$0x3FAF] =	sst s3  }
0xc: {  	[smem:$0x3FB0] =	sst s4  }
0xd: {  	[smem:$0x3FB1] =	sst s5  }
0xe: {  	[smem:$0x3FB2] =	sst s6  }
0xf: {  	[smem:$0x3FB3] =	sst s7  }
0x10: {  	[smem:$0x3FB4] =	sst s8  }
0x11: {  	[smem:$0x3FB5] =	sst s9;
	s0 =	simm.s32 @!p0 $0x0  }
0x12: {  	s1 =	sld [smem:$0x3F9B];
	s0 =	simm.s32 @p0 $0x1  }
0x13: {  	[smem:$0x3FB6] =	sst s0;
	s0 =	simm.s32 @!p1 $0x0  }
0x14: {  	s2 =	sld [smem:$0x3F9A];
	s0 =	simm.s32 @p1 $0x1  }
0x15: {  	[smem:$0x3FB7] =	sst s0;
	s0 =	simm.s32 @!p2 $0x0  }
0x16: {  	s3 =	sld [smem:$0x3FDB];
	s0 =	simm.s32 @p2 $0x1  }
0x17: {  	s4 =	simm.s32 $0x1BF5;
	[smem:$0x3FB9] =	sst s0  }
0x18: {  	s0 =	sld [smem:$0x3F9C];
	_ =	swait.ge [sflag:s4], $0x0  }
0x19: {  	s7 =	sld [smem:$0x3F9D]  }
0x1a: {  	s8 =	sadd.s32 $0xFFFFE003, lr  }
0x1b: {  	s9 =	sadd.s32 $0xFFFFFEF7, lr;
	s5 =	simm.s32 $0xFFFFFFFF;
	p2 =	slt.u32 s8, $0xFFFFF086  }
0x1c: {  	p1 =	slt.u32 s9, $0xF7A;
	s5 =	simm.s32 @!p2 $0x0  }
0x1d: {  	s5 =	simm.s32 @p1 $0x1;
	p0 =	seq.s32 s7, s2  }
0x1e: {  	s7 =	smul.u32 @!p0 $0xF7A, s2;
	p2 =	seq.s32 @!p0 s5, $0x0  }
0x1f: {  	s9 =	smul.u32 $0xF7A, s1;
	s8 =	simm.s32 @!p0 $0x1BF5;
	p2 =	por !p2, p0  }
0x20: {  	[sflag:s8] =	ssyncset.s32 @!p0 $0xFFFFF086;
	s6 =	sadd.s32 @!p0 s3, s7;
	s7 =	simm.s32 @!p0 $0x108  }
0x21: {  	s3 =	sadd.s32 s3, s9;
	s6 =	sadd.s32 @!p0 $0x88, s6;
	s7 =	simm.s32 @p2 $0x1082  }
0x22: {  	[simem:s7], [sflag:s8] =	dma.local @!p0 [hbm:s6], $0xF7A  }
0x23: {  	s9 =	sor.u32 $0xD0000000, s2;
	s6 =	simm.s32 $0x108;
	_ =	swait.ge @!p0 [sflag:s8], $0x0  }
0x24: {  	s3 =	sadd.s32 $0x88, s3;
	s6 =	simm.s32 @!p1 $0x1082;
	[sflag:s4] =	ssyncset.s32 $0xFFFFF086  }
0x25: {  	[simem:s6], [sflag:s4] =	dma.local [hbm:s3], $0xF7A  }
0x26: {  	[smem:$0x3F9D] =	sst s1;
	(tag) =	ssettag s2;
	_ =	strace s9  }
0x27: {  	s1 =	sld [smem:$0x3FAD]  }
0x28: {  	s2 =	sld [smem:$0x3FAE]  }
0x29: {  	s4 =	sld [smem:$0x3FB0]  }
0x2a: {  	p0 =	seq.s32 s5, $0x0;
	s5 =	sld [smem:$0x3FB1]  }
0x2b: {  	s6 =	sld [smem:$0x3FB2]  }
0x2c: {  	s7 =	sld [smem:$0x3FB3]  }
0x2d: {  	s3 =	simm.s32 $0x108;
	s8 =	sld [smem:$0x3FB4]  }
0x2e: {  	s3 =	simm.s32 @!p0 $0x1082;
	s9 =	sld [smem:$0x3FB5]  }
0x2f: {  	lr =	sadd.s32 s0, s3;
	s0 =	sld [smem:$0x3FAC]  }
0x30: {  	s3 =	sld [smem:$0x3FAF]  }
0x31: {  	[smem:$0x3FB8] =	sst s10  }
0x32: {  	s10 =	sld [smem:$0x3FB6];
	_ =	sdelay $0x3  }
0x33: {  	p0 =	seq.s32 s10, $0x1;
	s10 =	sld [smem:$0x3FB8];
	_ =	sdelay $0x3  }
0x34: {  	[smem:$0x3FB8] =	sst s10  }
0x35: {  	s10 =	sld [smem:$0x3FB7];
	_ =	sdelay $0x3  }
0x36: {  	p1 =	seq.s32 s10, $0x1;
	s10 =	sld [smem:$0x3FB8];
	_ =	sdelay $0x3  }
0x37: {  	[smem:$0x3FB8] =	sst s10  }
0x38: {  	s10 =	sld [smem:$0x3FB9]  }
0x39: {  	_ = 	snop;
	(pc) =	sbr.ind lr, $3  }
0x3a: {  	_ = 	snop  }
0x3b: {  	_ = 	snop  }
0x3c: {  	p2 =	seq.s32 s10, $0x1;
	s10 =	sld [smem:$0x3FB8]  }
0x3d: {  	_ =	shalt  }
0x3e: {  	_ =	shalt  }
0x3f: {  	_ =	shalt  }
0x40: {  	_ =	shalt  }
0x41: {  	_ =	shalt  }
0x42: {  	_ =	shalt  }
0x43: {  	_ =	shalt  }
0x44: {  	_ =	shalt  }
0x45: {  	_ =	shalt  }
0x46: {  	_ =	shalt  }
0x47: {  	_ =	shalt  }
0x48: {  	_ =	shalt  }
0x49: {  	_ =	shalt  }
0x4a: {  	_ =	shalt  }
0x4b: {  	_ =	shalt  }
0x4c: {  	_ =	shalt  }
0x4d: {  	_ =	shalt  }
0x4e: {  	_ =	shalt  }
0x4f: {  	_ =	shalt  }
0x50: {  	_ =	shalt  }
0x51: {  	_ =	shalt  }
0x52: {  	_ =	shalt  }
0x53: {  	_ =	shalt  }
0x54: {  	_ =	shalt  }
0x55: {  	_ =	shalt  }
0x56: {  	_ =	shalt  }
0x57: {  	_ =	shalt  }
0x58: {  	_ =	shalt  }
0x59: {  	_ =	shalt  }
0x5a: {  	_ =	shalt  }
0x5b: {  	_ =	shalt  }
0x5c: {  	_ =	shalt  }
0x5d: {  	_ =	shalt  }
0x5e: {  	_ =	shalt  }
0x5f: {  	_ =	shalt  }
0x60: {  	_ =	shalt  }
0x61: {  	_ =	shalt  }
0x62: {  	_ =	shalt  }
0x63: {  	_ =	shalt  }
0x64: {  	_ =	shalt  }
0x65: {  	_ =	shalt  }
0x66: {  	_ =	shalt  }
0x67: {  	_ =	shalt  }
0x68: {  	_ =	shalt  }
0x69: {  	_ =	shalt  }
0x6a: {  	_ =	shalt  }
0x6b: {  	_ =	shalt  }
0x6c: {  	_ =	shalt  }
0x6d: {  	_ =	shalt  }
0x6e: {  	_ =	shalt  }
0x6f: {  	_ =	shalt  }
0x70: {  	_ =	shalt  }
0x71: {  	_ =	shalt  }
0x72: {  	_ =	shalt  }
0x73: {  	_ =	shalt  }
0x74: {  	_ =	shalt  }
0x75: {  	_ =	shalt  }
0x76: {  	_ =	shalt  }
0x77: {  	_ =	shalt  }
0x78: {  	_ =	shalt  }
0x79: {  	_ =	shalt  }
0x7a: {  	_ =	shalt  }
0x7b: {  	_ =	shalt  }
0x7c: {  	_ =	shalt  }
0x7d: {  	_ =	shalt  }
0x7e: {  	_ =	shalt  }
0x7f: {  	_ =	shalt  }
0x80: {  	_ =	shalt  }
0x81: {  	_ =	shalt  }
0x82: {  	_ =	shalt  }
0x83: {  	_ =	shalt  }
0x84: {  	_ =	shalt  }
0x85: {  	_ =	shalt  }
0x86: {  	_ =	shalt  }
0x87: {  	_ =	shalt  }
.Lfunc_end0:
.L_simem_size_0:
called_computation_lowered:
.L_overlay_start_0:
0x88: {  	s2 =	sld [smem:$0x3FD9]  }
0x89: {  	s3 =	sld [smem:$0x3FFE];
	_ =	sdelay $0x1  }
0x8a: {  	s1 =	srdreg.scid  }
0x8b: {  	s0 =	sand.u32 $0x1, s1  }
0x8c: {  	s17 =	sshll.u32 s0, $0xA;
	s2 =	sadd.s32 s3, s2  }
0x8d: {  	s2 =	sadd.s32 s2, s17  }
0x8e: {  	[smem:$0x3FC4] =	sst s2  }
0x8f: {  	_ = 	snop  }
0x90: {  	s2 =	sld [smem:$0x3FD0];
	(tm) =	ssettm $0x1  }
0x91: {  	s18 =	sld [smem:$0x3FFB];
	_ =	sdelay $0x3  }
0x92: {  	_ =	strace s18  }
0x93: {  	s3 =	sld [smem:$0x3FFC];
	_ =	sdelay $0x3  }
0x94: {  	_ =	strace s3  }
0x95: {  	s3 =	sld [smem:$0x3FFD];
	_ =	sdelay $0x3  }
0x96: {  	_ =	strace s3  }
0x97: {  	_ =	strace $0x8FFFFFFF  }
0x98: {  	s19 =	sld [smem:$0x3FDB];
	_ =	sdelay $0x1  }
0x99: {  	s4 =	simm.s32 $_scs_section_size  }
0x9a: {  	s5 =	simm.s32 $_size__tile_overlayer_lowered;
	s6 =	simm.s32 $_tile_overlayer_lowered  }
0x9b: {  	s22 =	simm.s32 $0x1BFF;
	s21 =	sshll.u32 s6, $0x1;
	s3 =	sadd.s32 s4, s19  }
0x9c: {  	s7 =	simm.s32 $0x0;
	s20 =	sshll.u32 s5, $0x1;
	s5 =	sadd.s32 s21, s3  }
0x9d: {  	[timem:s7], [sflag:s22] =	dma.local [hbm:s5], s20  }
0x9e: {  	_ =	swait.ge [sflag:s22], s20  }
0x9f: {  	s4 =	ssub.s32 $0x0, s20;
	[sflag:s22] =	ssyncset.done $0x0  }
0xa0: {  	[sflag:s22] =	ssyncadd.s32 s4;
	_ =	sdelay $0x1  }
0xa1: {  	s23 =	simm.s32 $0x1B8B  }
0xa2: {  	_ =	swait.ge [sflag:s23], $0x1  }
0xa3: {  	[sflag:s23] =	ssyncset.done $0x0  }
0xa4: {  	s25 =	simm.s32 $0x1B8E;
	s24 =	sld [smem:$0x3FFE];
	[sflag:s23] =	ssyncadd.s32 $0xFFFFFFFF  }
0xa5: {  	s26 =	simm.s32 $execute0_lowered;
	[smem:$0x3FD2] =	sst s25  }
0xa6: {  	s5 =	sshll.u32 s26, $0x1;
	_ =	strace $0x80000046;
	[dreg:$0x1] =	wrdreg $0xFFFFFFFF  }
0xa7: {  	s28 =	simm.s32 $_size_execute0_lowered;
	s3 =	sadd.s32 s3, s5;
	[dreg:$0x0] =	wrdreg $0x0  }
0xa8: {  	s5 =	sshll.u32 s28, $0x1;
	[dreg:$0x2] =	wrdreg s3  }
0xa9: {  	[dreg:$0x3] =	wrdreg s5  }
0xaa: {  	[dreg:$0x4] =	wrdreg $0xC0  }
0xab: {  	_ =	task [dreg:s7], $0x5FFFF  }
0xac: {  	[dreg:$0x1] =	wrdreg $0xFFFFFFFF  }
0xad: {  	[dreg:$0x0] =	wrdreg $0x60  }
0xae: {  	[dreg:$0x2] =	wrdreg s24  }
0xaf: {  	[dreg:$0x3] =	wrdreg s2  }
0xb0: {  	[dreg:$0x4] =	wrdreg $0xBE300  }
0xb1: {  	[dreg:$0x5] =	wrdreg $0x9  }
0xb2: {  	_ =	task.clear_ibuf [dreg:s7], $0x6FFFF;
	_ =	strace $0x90000046  }
0xb3: {  	s29 =	simm.s32 $0x9;
	_ =	strace $0x80000048  }
0xb4: {  	_ =	swait.ge [sflag:s29], $0x1  }
0xb5: {  	[sflag:s29] =	ssyncadd.s32 $0xFFFFFFFF  }
0xb6: {  	_ =	strace $0x90000048  }
0xb7: {  	_ =	sfence  }
0xb8: {  	s30 =	sld [smem:$0x0];
	_ =	sdelay $0x2  }
0xb9: {  	s31 =	sshll.u32 s1, $0xD;
	s1 =	sshrl.u32 s1, $0x2  }
0xba: {  	s3 =	sand.u32 $0x4000, s31;
	s1 =	sadd.s32 s1, s30  }
0xbb: {  	s0 =	sor.u32 s3, s0;
	s1 =	sshll.u32 s1, $0x11  }
0xbc: {  	s0 =	sor.u32 s1, s0  }
0xbd: {  	s0 =	sadd.s32 $0x8F2B, s0  }
0xbe: {  	[sflag:s0] =	ssyncadd.remote.s32 $0x1  }
0xbf: {  	_ =	sfence.sel $0xFFFF  }
0xc0: {  	[dreg:$0x0] =	wrdreg $0xFFFFFFFF;
	(pc) =	sbr.abs _section_cstart, $3  }
0xc1: {  	[dreg:$0x1] =	wrdreg $0xFFFFFFFF  }
0xc2: {  	_ =	task.clear_ibuf [dreg:s7], $0x2FFFF;
	_ =	strace $0x9FFFFFFF  }
0xc3: {  	(tm) =	ssettm $0x7FFFFFFF  }
tec
execute0_lowered:
.L_overlay_start_1:
0x0: {  	(tag) =	ssettag $0x1  }
0x1: {  	s4 =	rddreg [dreg:$0x0]  }
0x2: {  	s0 =	srdreg.scid;
	s7 =	rddreg [dreg:$0x1]  }
0x3: {  	s9 =	stileid.u32;
	s1 =	rddreg [dreg:$0x2]  }
0x4: {  	s2 =	simm.s32 $0x0;
	s29 =	simm.s32 $0x1B0;
	s30 =	simm.s32 $0x6600  }
0x5: {  	s31 =	simm.s32 $0x1E0;
	s11 =	simm.s32 $0x210;
	s12 =	simm.s32 $0x7C00  }
0x6: {  	s13 =	simm.s32 $0x240;
	s14 =	simm.s32 $0x8700;
	s15 =	simm.s32 $0x270  }
0x7: {  	s16 =	simm.s32 $0x9200;
	s17 =	simm.s32 $0x2A0;
	s18 =	simm.s32 $0x9D00  }
0x8: {  	s19 =	simm.s32 $0x2D0;
	s20 =	simm.s32 $0xA800;
	s21 =	simm.s32 $0xB300  }
0x9: {  	s22 =	simm.s32 $0x1;
	s23 =	simm.s32 $0xBE10;
	s24 =	simm.s32 $0x0  }
0xa: {  	s0 =	sand.u32 $0x1, s0;
	s3 =	smul.u32 $0x600, s9;
	[smem:$0x7FF] =	sst s2  }
0xb: {  	s26 =	smul.u32 $0x160, s9;
	p0 =	sne.s32 s9, $0x0;
	s9 =	simm.s32 $0x2  }
0xc: {  	vm0 =	vmmov $0xffff;
	vm1 =	vmmov $0x1;
	s5 =	smul.u32 $0x300, s0;
	_ =	strace $0x80000047;
	s8 =	ssub.s32 $0x2, s0  }
0xd: {  	vm2 =	vmmov $0x3;
	vm3 =	vmmov $0x7;
	vm4 =	vmmov $0xf;
	s0 =	sshll.u32 s0, $0x1;
	s10 =	sadd.s32 s26, s4;
	s28 =	sshrl.u32 s8, $0x1  }
0xe: {  	vm5 =	vmmov $0x1f;
	vm6 =	vmmov $0x3f;
	vm7 =	vmmov $0x7f;
	s7 =	sadd.s32 s7, s0;
	s3 =	sadd.s32 s5, s3;
	s8 =	ssub.s32 s8, s28  }
0xf: {  	vm8 =	vmmov $0xff;
	vm9 =	vmmov $0x1ff;
	vm10 =	vmmov $0x3ff;
	s0 =	simm.s32 $0x7100;
	s3 =	sshrl.u32 s3, $0x3;
	s8 =	smax.u32 s8, $0x1  }
0x10: {  	vm11 =	vmmov $0x7ff;
	vm12 =	vmmov $0xfff;
	vm13 =	vmmov $0x1fff;
	s6 =	sadd.s32 s3, s4;
	s3 =	sadd.s32 $0xF42800, s4;
	s4 =	sadd.s32 $0x2600, s4  }
0x11: {  	vm14 =	vmmov $0x3fff;
	vm15 =	vmmov $0x7fff;
	v0 =	vlaneseq.u32;
	s5 =	sadd.s32 $0x1A00, s6;
	s6 =	sadd.s32 $0x400, s10;
	s10 =	simm.s32 $0x2C  }
.LBB2_1:
0x12: {  	[tilespmem:s2], [sflag:$0x2] =	stream.linear.gather [hbm4b:s5+s2], $0x300, $0x38;
	[tilespmem:$0xBE38] =	vst v63  }
0x13: {  	_ =	swait.ge [sflag:s9], $0x300  }
0x14: {  	[sflag:s9] =	ssyncset.done $0x0  }
0x15: {  	s25 =	simm.s32 $0x300;
	[sflag:s9] =	ssyncadd.s32 $0xFFFFFD00  }
0x16: {  	[tilespmem:s25], [sflag:$0x1] =	stream.indirect.gather [hbm4b:s3+s10], $0x40, s2, s10, $0xb8;
	[tilespmem:$0xBE38] =	vst v63  }
0x17: {  	s28 =	simm.s32 $0x30;
	s26 =	simm.s32 $0xE00  }
0x18: {  	[tilespmem:s26], [sflag:$0x1] =	stream.indirect.gather [hbm4b:s3+s10], $0x40, s28, s10, $0xb8;
	[tilespmem:$0xBE38] =	vst v63  }
0x19: {  	s26 =	simm.s32 $0x60;
	s28 =	simm.s32 $0x1900  }
0x1a: {  	[tilespmem:s28], [sflag:$0x1] =	stream.indirect.gather [hbm4b:s3+s10], $0x40, s26, s10, $0xb8;
	[tilespmem:$0xBE38] =	vst v63  }
0x1b: {  	s26 =	simm.s32 $0x90;
	s28 =	simm.s32 $0x2400  }
0x1c: {  	[tilespmem:s28], [sflag:$0x1] =	stream.indirect.gather [hbm4b:s3+s10], $0x40, s26, s10, $0xb8;
	[tilespmem:$0xBE38] =	vst v63  }
0x1d: {  	s26 =	simm.s32 $0xC0;
	s28 =	simm.s32 $0x2F00  }
0x1e: {  	[tilespmem:s28], [sflag:$0x1] =	stream.indirect.gather [hbm4b:s3+s10], $0x40, s26, s10, $0xb8;
	[tilespmem:$0xBE38] =	vst v63  }
0x1f: {  	s26 =	simm.s32 $0xF0;
	s28 =	simm.s32 $0x3A00  }
0x20: {  	[tilespmem:s28], [sflag:$0x1] =	stream.indirect.gather [hbm4b:s3+s10], $0x40, s26, s10, $0xb8;
	[tilespmem:$0xBE38] =	vst v63  }
0x21: {  	s26 =	simm.s32 $0x120;
	s28 =	simm.s32 $0x4500  }
0x22: {  	[tilespmem:s28], [sflag:$0x1] =	stream.indirect.gather [hbm4b:s3+s10], $0x40, s26, s10, $0xb8;
	[tilespmem:$0xBE38] =	vst v63  }
0x23: {  	s26 =	simm.s32 $0x150;
	s28 =	simm.s32 $0x5000  }
0x24: {  	[tilespmem:s28], [sflag:$0x1] =	stream.indirect.gather [hbm4b:s3+s10], $0x40, s26, s10, $0xb8;
	[tilespmem:$0xBE38] =	vst v63  }
0x25: {  	s26 =	simm.s32 $0x180;
	s28 =	simm.s32 $0x5B00  }
0x26: {  	[tilespmem:s28], [sflag:$0x1] =	stream.indirect.gather [hbm4b:s3+s10], $0x40, s26, s10, $0xb8;
	[tilespmem:$0xBE38] =	vst v63  }
0x27: {  	_ = 	snop  }
0x28: {  	[tilespmem:s30], [sflag:$0x1] =	stream.indirect.gather [hbm4b:s3+s10], $0x40, s29, s10, $0xb8;
	[tilespmem:$0xBE38] =	vst v63  }
0x29: {  	_ = 	snop  }
0x2a: {  	[tilespmem:s0], [sflag:$0x1] =	stream.indirect.gather [hbm4b:s3+s10], $0x40, s31, s10, $0xb8;
	[tilespmem:$0xBE38] =	vst v63  }
0x2b: {  	_ = 	snop  }
0x2c: {  	[tilespmem:s12], [sflag:$0x1] =	stream.indirect.gather [hbm4b:s3+s10], $0x40, s11, s10, $0xb8;
	[tilespmem:$0xBE38] =	vst v63  }
0x2d: {  	_ = 	snop  }
0x2e: {  	[tilespmem:s14], [sflag:$0x1] =	stream.indirect.gather [hbm4b:s3+s10], $0x40, s13, s10, $0xb8;
	[tilespmem:$0xBE38] =	vst v63  }
0x2f: {  	_ = 	snop  }
0x30: {  	[tilespmem:s16], [sflag:$0x1] =	stream.indirect.gather [hbm4b:s3+s10], $0x40, s15, s10, $0xb8;
	[tilespmem:$0xBE38] =	vst v63  }
0x31: {  	_ = 	snop  }
0x32: {  	[tilespmem:s18], [sflag:$0x1] =	stream.indirect.gather [hbm4b:s3+s10], $0x40, s17, s10, $0xb8;
	[tilespmem:$0xBE38] =	vst v63  }
0x33: {  	_ = 	snop  }
0x34: {  	v1 =	vimm.f32 @!p0 $0.0e+00;
	[tilespmem:s20], [sflag:$0x1] =	stream.indirect.gather [hbm4b:s3+s10], $0x40, s19, s10, $0xb8;
	[tilespmem:$0xBE38] =	vst v63  }
0x35: {  	s25 =	simm.s32 @!p0 $0xBE20;
	[tilespmem:$0xBE20] =	vst @!p0 v1  }
0x36: {  	[spmem:s1] =	stream.linear.scatter @!p0 [tilespmem:s25], [sflag:$0x2], $0x10, $0x38;
	[tilespmem:$0xBE38] =	vst v63  }
0x37: {  	s25 =	simm.s32 @!p0 $0x2  }
0x38: {  	_ =	swait.ge @!p0 [sflag:s25], $0x10  }
0x39: {  	[sflag:s25] =	ssyncset.done @!p0 $0x0  }
0x3a: {  	s26 =	simm.s32 @!p0 $0x0;
	s28 =	simm.s32 @!p0 $0xBE00;
	[sflag:s25] =	ssyncadd.s32 @!p0 $0xFFFFFFF0  }
0x3b: {  	[tilespmem:s28], [sflag:$0x2] =	stream.linear.gather @!p0 [hbm4b:s4+s26], $0x10, $0x38;
	[tilespmem:$0xBE38] =	vst v63  }
0x3c: {  	_ =	swait.ge @!p0 [sflag:s25], $0x10  }
0x3d: {  	[sflag:s25] =	ssyncset.done @!p0 $0x0  }
0x3e: {  	[sflag:s25] =	ssyncadd.s32 @!p0 $0xFFFFFFF0  }
0x3f: {  	[tilespmem:s21], [sflag:$0x2] =	stream.linear.gather [hbm4b:s6+s2], $0xB00, $0x38;
	[tilespmem:$0xBE38] =	vst v63  }
0x40: {  	_ =	swait.ge [sflag:s9], $0xB00  }
0x41: {  	[sflag:s9] =	ssyncset.done $0x0  }
0x42: {  	[sflag:s9] =	ssyncadd.s32 $0xFFFFF500  }
0x43: {  	_ =	swait.ge [sflag:s22], $0xB00  }
0x44: {  	[sflag:s22] =	ssyncset.done $0x0  }
0x45: {  	[sflag:s22] =	ssyncadd.s32 $0xFFFFF500  }
0x46: {  	_ =	swait.ge [sflag:s22], $0xB00  }
0x47: {  	[sflag:s22] =	ssyncset.done $0x0  }
0x48: {  	[sflag:s22] =	ssyncadd.s32 $0xFFFFF500  }
0x49: {  	_ =	swait.ge [sflag:s22], $0xB00  }
0x4a: {  	[sflag:s22] =	ssyncset.done $0x0  }
0x4b: {  	[sflag:s22] =	ssyncadd.s32 $0xFFFFF500  }
0x4c: {  	_ =	swait.ge [sflag:s22], $0xB00  }
0x4d: {  	[sflag:s22] =	ssyncset.done $0x0  }
0x4e: {  	[sflag:s22] =	ssyncadd.s32 $0xFFFFF500  }
0x4f: {  	_ =	swait.ge [sflag:s22], $0xB00  }
0x50: {  	[sflag:s22] =	ssyncset.done $0x0  }
0x51: {  	[sflag:s22] =	ssyncadd.s32 $0xFFFFF500  }
0x52: {  	_ =	swait.ge [sflag:s22], $0xB00  }
0x53: {  	[sflag:s22] =	ssyncset.done $0x0  }
0x54: {  	[sflag:s22] =	ssyncadd.s32 $0xFFFFF500  }
0x55: {  	_ =	swait.ge [sflag:s22], $0xB00  }
0x56: {  	[sflag:s22] =	ssyncset.done $0x0  }
0x57: {  	[sflag:s22] =	ssyncadd.s32 $0xFFFFF500  }
0x58: {  	_ =	swait.ge [sflag:s22], $0xB00  }
0x59: {  	[sflag:s22] =	ssyncset.done $0x0  }
0x5a: {  	[sflag:s22] =	ssyncadd.s32 $0xFFFFF500  }
0x5b: {  	_ =	swait.ge [sflag:s22], $0xB00  }
0x5c: {  	[sflag:s22] =	ssyncset.done $0x0  }
0x5d: {  	[sflag:s22] =	ssyncadd.s32 $0xFFFFF500  }
0x5e: {  	_ =	swait.ge [sflag:s22], $0xB00  }
0x5f: {  	[sflag:s22] =	ssyncset.done $0x0  }
0x60: {  	[sflag:s22] =	ssyncadd.s32 $0xFFFFF500  }
0x61: {  	_ =	swait.ge [sflag:s22], $0xB00  }
0x62: {  	[sflag:s22] =	ssyncset.done $0x0  }
0x63: {  	[sflag:s22] =	ssyncadd.s32 $0xFFFFF500  }
0x64: {  	_ =	swait.ge [sflag:s22], $0xB00  }
0x65: {  	[sflag:s22] =	ssyncset.done $0x0  }
0x66: {  	[sflag:s22] =	ssyncadd.s32 $0xFFFFF500  }
0x67: {  	_ =	swait.ge [sflag:s22], $0xB00  }
0x68: {  	[sflag:s22] =	ssyncset.done $0x0  }
0x69: {  	[sflag:s22] =	ssyncadd.s32 $0xFFFFF500  }
0x6a: {  	_ =	swait.ge [sflag:s22], $0xB00  }
0x6b: {  	[sflag:s22] =	ssyncset.done $0x0  }
0x6c: {  	[sflag:s22] =	ssyncadd.s32 $0xFFFFF500  }
0x6d: {  	_ =	swait.ge [sflag:s22], $0xB00  }
0x6e: {  	[sflag:s22] =	ssyncset.done $0x0  }
0x6f: {  	[sflag:s22] =	ssyncadd.s32 $0xFFFFF500  }
0x70: {  	_ =	swait.ge [sflag:s22], $0xB00  }
0x71: {  	[sflag:s22] =	ssyncset.done $0x0  }
0x72: {  	s25 =	simm.s32 $0x0;
	[sflag:s22] =	ssyncadd.s32 $0xFFFFF500  }
0x73: {  	v1 =	vld [tilespmem:s25+$0xB330]  }
0x74: {  	v3 =	vld [tilespmem:s25+$0x330]  }
0x75: {  	v4 =	vld [tilespmem:s25+$0xE30]  }
0x76: {  	v5 =	vld [tilespmem:s25+$0x1930]  }
0x77: {  	v6 =	vld [tilespmem:s25+$0x2430]  }
0x78: {  	v7 =	vld [tilespmem:s25+$0x2F30]  }
0x79: {  	v8 =	vld [tilespmem:s25+$0x3A30]  }
0x7a: {  	v9 =	vld [tilespmem:s25+$0x4530]  }
0x7b: {  	v10 =	vld [tilespmem:s25+$0x5030]  }
0x7c: {  	v11 =	vld [tilespmem:s25+$0x5B30]  }
0x7d: {  	v12 =	vld [tilespmem:s25+$0x6630]  }
0x7e: {  	v13 =	vld [tilespmem:s25+$0x7130]  }
0x7f: {  	v15 =	vld [tilespmem:s25+$0x7C30]  }
0x80: {  	v16 =	vld [tilespmem:s25+$0x8730]  }
0x81: {  	v17 =	vld [tilespmem:s25+$0x9230]  }
0x82: {  	v2 =	vld [tilespmem:s25+$0xB320]  }
0x83: {  	v18 =	vld [tilespmem:s25+$0x320]  }
0x84: {  	v19 =	vld [tilespmem:s25+$0xE20]  }
0x85: {  	v20 =	vld [tilespmem:s25+$0x1920]  }
0x86: {  	v21 =	vld [tilespmem:s25+$0x2420]  }
0x87: {  	v22 =	vld [tilespmem:s25+$0x2F20]  }
0x88: {  	v23 =	vld [tilespmem:s25+$0x3A20]  }
0x89: {  	v24 =	vld [tilespmem:s25+$0x4520]  }
0x8a: {  	v25 =	vld [tilespmem:s25+$0x5020]  }
0x8b: {  	v26 =	vld [tilespmem:s25+$0x5B20]  }
0x8c: {  	v27 =	vld [tilespmem:s25+$0x6620]  }
0x8d: {  	v29 =	vld [tilespmem:s25+$0x7120];
	v28 =	vmul.f32 v3, v1;
	v33 =	vmul.f32 v4, v1  }
0x8e: {  	v37 =	vld [tilespmem:s25+$0x9220];
	v34 =	vmul.f32 v5, v1;
	v35 =	vmul.f32 v6, v1  }
0x8f: {  	v38 =	vld [tilespmem:s25+$0xE00];
	v36 =	vmul.f32 v7, v1;
	v40 =	vmul.f32 v8, v1  }
0x90: {  	v39 =	vld [tilespmem:s25+$0x1900];
	v41 =	vmul.f32 v9, v1;
	v42 =	vmul.f32 v10, v1  }
0x91: {  	v6 =	vld [tilespmem:s25+$0x7C20];
	v14 =	vmul.f32 v11, v1;
	v12 =	vmul.f32 v12, v1  }
0x92: {  	v8 =	vld [tilespmem:s25+$0x8720];
	v10 =	vmul.f32 v13, v1;
	v7 =	vmul.f32 v15, v1  }
0x93: {  	v5 =	vld [tilespmem:s25+$0xB310];
	v4 =	vmul.f32 v16, v1;
	v3 =	vmul.f32 v17, v1  }
0x94: {  	v11 =	vld [tilespmem:s25+$0x310];
	v15 =	vmul.f32 v18, v2;
	v17 =	vmul.f32 v19, v2  }
0x95: {  	v13 =	vld [tilespmem:s25+$0xE10];
	v20 =	vmul.f32 v20, v2;
	v21 =	vmul.f32 v21, v2  }
0x96: {  	v9 =	vld [tilespmem:s25+$0xB300];
	v22 =	vmul.f32 v22, v2;
	v23 =	vmul.f32 v23, v2  }
0x97: {  	v19 =	vld [tilespmem:s25+$0x300];
	v24 =	vmul.f32 v24, v2;
	v25 =	vmul.f32 v25, v2  }
0x98: {  	v43 =	vld [tilespmem:s25+$0x2400];
	v32 =	vmul.f32 v26, v2;
	v31 =	vmul.f32 v27, v2  }
0x99: {  	v26 =	vld [tilespmem:s25+$0x1910];
	v30 =	vmul.f32 v29, v2;
	v16 =	vmul.f32 v37, v2  }
0x9a: {  	v27 =	vld [tilespmem:s25+$0x2410];
	v29 =	vmul.f32 v6, v2;
	v18 =	vmul.f32 v8, v2  }
0x9b: {  	v55 =	vld [tilespmem:s25+$0x4510];
	v8 =	vmul.f32 v11, v5;
	v11 =	vmul.f32 v13, v5  }
0x9c: {  	v13 =	vld [tilespmem:s25+$0x2F10];
	v19 =	vmul.f32 v19, v9;
	v52 =	vmul.f32 v38, v9  }
0x9d: {  	v53 =	vld [tilespmem:s25+$0x3A10];
	v6 =	vimm.f32 $0.0e+00;
	v39 =	vmul.f32 v39, v9;
	v43 =	vmul.f32 v43, v9  }
0x9e: {  	v44 =	vld [tilespmem:s25+$0x2F00];
	v26 =	vmul.f32 v26, v5;
	v19 =	vadd.f32 v19, v6;
	v37 =	vadd.f32 v52, v6  }
0x9f: {  	v45 =	vld [tilespmem:s25+$0x3A00];
	v27 =	vmul.f32 v27, v5;
	v39 =	vadd.f32 v39, v6;
	v43 =	vadd.f32 v43, v6  }
0xa0: {  	v46 =	vld [tilespmem:s25+$0x4500];
	v59 =	vmul.f32 v55, v5;
	v8 =	vadd.f32 v8, v19;
	v11 =	vadd.f32 v11, v37  }
0xa1: {  	v54 =	vld [tilespmem:s25+$0x5000];
	v19 =	vmul.f32 v13, v5;
	v13 =	vadd.f32 v26, v39;
	v26 =	vadd.f32 v27, v43  }
0xa2: {  	v56 =	vld [tilespmem:s25+$0x5010];
	v27 =	vmul.f32 v53, v5;
	v8 =	vadd.f32 v15, v8;
	v11 =	vadd.f32 v17, v11  }
0xa3: {  	v58 =	vld [tilespmem:s25+$0x6610];
	v17 =	vmul.f32 v44, v9;
	v20 =	vadd.f32 v20, v13;
	v21 =	vadd.f32 v21, v26  }
0xa4: {  	v62 =	vld [tilespmem:s25+$0x7100];
	v26 =	vmul.f32 v45, v9;
	v15 =	vadd.f32 v28, v8;
	v13 =	vadd.f32 v33, v11  }
0xa5: {  	v57 =	vld [tilespmem:s25+$0x5B10];
	v28 =	vmul.f32 v46, v9;
	v17 =	vadd.f32 v17, v6;
	v11 =	vadd.f32 v34, v20  }
0xa6: {  	v8 =	vadd.f32 v35, v21;
	v20 =	vmul.f32 v54, v9;
	v21 =	vld [tilespmem:s25+$0x5B00];
	v26 =	vadd.f32 v26, v6  }
0xa7: {  	v60 =	vld [tilespmem:s25+$0x6600];
	v61 =	vmul.f32 v56, v5;
	v28 =	vadd.f32 v28, v6;
	v17 =	vadd.f32 v19, v17  }
0xa8: {  	v38 =	vmul.f32 v58, v5;
	v20 =	vadd.f32 v20, v6;
	v19 =	vadd.f32 v27, v26;
	v26 =	vld [tilespmem:s25+$0x7C00]  }
0xa9: {  	v63 =	vmul.f32 v62, v9;
	v27 =	vadd.f32 v59, v28;
	v17 =	vadd.f32 v22, v17  }
0xaa: {  	v37 =	vmul.f32 v57, v5;
	v28 =	vld [tilespmem:s25+$0x7110];
	v20 =	vadd.f32 v61, v20;
	v19 =	vadd.f32 v23, v19  }
0xab: {  	v23 =	vld [tilespmem:s25+$0x7C10];
	v21 =	vmul.f32 v21, v9;
	v24 =	vadd.f32 v24, v27;
	v22 =	vadd.f32 v36, v17  }
0xac: {  	v39 =	vld [tilespmem:s25+$0x8710];
	v27 =	vmul.f32 v60, v9;
	v25 =	vadd.f32 v25, v20;
	v20 =	vadd.f32 v40, v19  }
0xad: {  	v35 =	vld [tilespmem:s25+$0x9210];
	v40 =	vadd.f32 v63, v6;
	v19 =	vadd.f32 v41, v24;
	v24 =	vmul.f32 v26, v9  }
0xae: {  	v33 =	vld [tilespmem:s25+$0x8700];
	v34 =	vadd.f32 v21, v6;
	v36 =	vadd.f32 v27, v6;
	v21 =	vimm.f32 $0.0e+00  }
0xaf: {  	v17 =	vadd.f32 v42, v25;
	v26 =	vmul.f32 v28, v5;
	v25 =	vld [tilespmem:s25+$0x9200];
	v28 =	vadd.f32 v24, v6  }
0xb0: {  	s26 =	simm.s32 $0x100;
	v27 =	vld [tilespmem:s25+$0x9D00];
	v41 =	vmul.f32 v23, v5;
	v24 =	vimm.f32 $0.0e+00;
	v23 =	vimm.f32 $0.0e+00  }
.LBB2_2:
0xb1: {  	p1 =	sne.s32 s26, $0x2B00;
	v34 =	vadd.f32 v37, v34;
	v36 =	vadd.f32 v38, v36;
	v37 =	vmul.f32 v39, v5;
	v38 =	vld [tilespmem:s25+$0xA800]  }
0xb2: {  	v26 =	vadd.f32 v26, v40;
	v28 =	vadd.f32 v41, v28;
	v35 =	vmul.f32 v35, v5;
	v39 =	vld [tilespmem:s25+$0x9D10]  }
0xb3: {  	v32 =	vadd.f32 v32, v34;
	v31 =	vadd.f32 v31, v36;
	v33 =	vmul.f32 v33, v9;
	v34 =	vld [tilespmem:s25+$0xA810]  }
0xb4: {  	v30 =	vadd.f32 v30, v26;
	v28 =	vadd.f32 v29, v28;
	v29 =	vmul.f32 v25, v9;
	v36 =	vld [tilespmem:s25+$0x9D20]  }
0xb5: {  	v25 =	vadd.f32 v14, v32;
	v26 =	vadd.f32 v12, v31;
	v12 =	vmul.f32 v27, v9;
	v14 =	vld [tilespmem:s25+$0xA820]  }
0xb6: {  	v27 =	vadd.f32 v10, v30;
	v28 =	vadd.f32 v7, v28;
	v7 =	vld [tilespmem:s25+$0x9D30];
	v9 =	vmul.f32 v38, v9  }
0xb7: {  	v6 =	vadd.f32 v33, v6;
	v10 =	vadd.f32 v29, v24;
	v24 =	vmul.f32 v39, v5;
	v29 =	vld [tilespmem:s25+$0xA830];
	s25 =	sshra.s32 s26, $0x2  }
0xb8: {  	v12 =	vadd.f32 v12, v23;
	v30 =	vld [tilespmem:s25+$0xB330];
	v9 =	vadd.f32 v9, v21;
	v5 =	vmul.f32 v34, v5  }
0xb9: {  	v6 =	vadd.f32 v37, v6;
	v10 =	vadd.f32 v35, v10;
	v31 =	vld [tilespmem:s25+$0x330];
	v21 =	vmul.f32 v36, v2  }
0xba: {  	v12 =	vadd.f32 v24, v12;
	v32 =	vld [tilespmem:s25+$0xE30];
	v5 =	vadd.f32 v5, v9;
	v2 =	vmul.f32 v14, v2  }
0xbb: {  	v6 =	vadd.f32 v18, v6;
	v10 =	vadd.f32 v16, v10;
	v9 =	vld [tilespmem:s25+$0x1930];
	v7 =	vmul.f32 v7, v1  }
0xbc: {  	v12 =	vadd.f32 v21, v12;
	v14 =	vld [tilespmem:s25+$0x2430];
	v2 =	vadd.f32 v2, v5;
	v5 =	vmul.f32 v29, v1  }
0xbd: {  	v6 =	vadd.f32 v4, v6;
	v24 =	vadd.f32 v3, v10;
	v16 =	vld [tilespmem:s25+$0x2F30];
	v1 =	vmov v30  }
0xbe: {  	v23 =	vadd.f32 v7, v12;
	v3 =	vld [tilespmem:s25+$0x3A30];
	v21 =	vadd.f32 v5, v2  }
0xbf: {  	v4 =	vld [tilespmem:s25+$0x4530]  }
0xc0: {  	v5 =	vld [tilespmem:s25+$0x5030]  }
0xc1: {  	v7 =	vld [tilespmem:s25+$0x5B30]  }
0xc2: {  	v10 =	vld [tilespmem:s25+$0x6630]  }
0xc3: {  	v18 =	vld [tilespmem:s25+$0x7130]  }
0xc4: {  	v29 =	vld [tilespmem:s25+$0x7C30]  }
0xc5: {  	v30 =	vld [tilespmem:s25+$0x8730]  }
0xc6: {  	v37 =	vld [tilespmem:s25+$0x9230]  }
0xc7: {  	v2 =	vld [tilespmem:s25+$0xB320]  }
0xc8: {  	v38 =	vld [tilespmem:s25+$0x320]  }
0xc9: {  	v39 =	vld [tilespmem:s25+$0xE20]  }
0xca: {  	v40 =	vld [tilespmem:s25+$0x1920]  }
0xcb: {  	v41 =	vld [tilespmem:s25+$0x2420]  }
0xcc: {  	v42 =	vld [tilespmem:s25+$0x2F20]  }
0xcd: {  	v43 =	vld [tilespmem:s25+$0x3A20]  }
0xce: {  	v44 =	vld [tilespmem:s25+$0x4520]  }
0xcf: {  	v45 =	vld [tilespmem:s25+$0x5020]  }
0xd0: {  	v46 =	vld [tilespmem:s25+$0x5B20]  }
0xd1: {  	v47 =	vld [tilespmem:s25+$0x6620]  }
0xd2: {  	v48 =	vmul.f32 v31, v1;
	v49 =	vmul.f32 v32, v1;
	v50 =	vld [tilespmem:s25+$0x7120]  }
0xd3: {  	v51 =	vmul.f32 v9, v1;
	v52 =	vmul.f32 v14, v1;
	v53 =	vld [tilespmem:s25+$0x7C20]  }
0xd4: {  	v35 =	vmul.f32 v16, v1;
	v36 =	vmul.f32 v3, v1;
	v16 =	vld [tilespmem:s25+$0x8720]  }
0xd5: {  	v33 =	vmul.f32 v4, v1;
	v34 =	vmul.f32 v5, v1;
	v54 =	vld [tilespmem:s25+$0x9220]  }
0xd6: {  	v14 =	vmul.f32 v7, v1;
	v12 =	vmul.f32 v10, v1;
	v5 =	vld [tilespmem:s25+$0xB310]  }
0xd7: {  	v10 =	vmul.f32 v18, v1;
	v7 =	vmul.f32 v29, v1;
	v55 =	vld [tilespmem:s25+$0x310]  }
0xd8: {  	v4 =	vmul.f32 v30, v1;
	v3 =	vmul.f32 v37, v1;
	v56 =	vld [tilespmem:s25+$0xE10]  }
0xd9: {  	v37 =	vmul.f32 v38, v2;
	v38 =	vmul.f32 v39, v2;
	v9 =	vld [tilespmem:s25+$0xB300]  }
0xda: {  	v40 =	vmul.f32 v40, v2;
	v41 =	vmul.f32 v41, v2;
	v39 =	vld [tilespmem:s25+$0x300]  }
0xdb: {  	v42 =	vmul.f32 v42, v2;
	v43 =	vmul.f32 v43, v2;
	v57 =	vld [tilespmem:s25+$0xE00]  }
0xdc: {  	v44 =	vmul.f32 v44, v2;
	v45 =	vmul.f32 v45, v2;
	v58 =	vld [tilespmem:s25+$0x1900]  }
0xdd: {  	v32 =	vmul.f32 v46, v2;
	v31 =	vmul.f32 v47, v2;
	v59 =	vld [tilespmem:s25+$0x2400]  }
0xde: {  	v30 =	vmul.f32 v50, v2;
	v29 =	vmul.f32 v53, v2;
	v46 =	vld [tilespmem:s25+$0x1910]  }
0xdf: {  	v18 =	vmul.f32 v16, v2;
	v16 =	vmul.f32 v54, v2;
	v47 =	vld [tilespmem:s25+$0x2410]  }
0xe0: {  	v50 =	vmul.f32 v55, v5;
	v53 =	vmul.f32 v56, v5;
	v54 =	vld [tilespmem:s25+$0x2F10]  }
0xe1: {  	v39 =	vmul.f32 v39, v9;
	v55 =	vmul.f32 v57, v9;
	v56 =	vld [tilespmem:s25+$0x3A10]  }
0xe2: {  	v57 =	vmul.f32 v58, v9;
	v58 =	vmul.f32 v59, v9;
	v59 =	vld [tilespmem:s25+$0x2F00]  }
0xe3: {  	v15 =	vadd.f32 v39, v15;
	v13 =	vadd.f32 v55, v13;
	v39 =	vmul.f32 v46, v5;
	v46 =	vld [tilespmem:s25+$0x3A00]  }
0xe4: {  	v11 =	vadd.f32 v57, v11;
	v8 =	vadd.f32 v58, v8;
	v47 =	vmul.f32 v47, v5;
	v55 =	vld [tilespmem:s25+$0x4500]  }
0xe5: {  	v15 =	vadd.f32 v50, v15;
	v13 =	vadd.f32 v53, v13;
	v50 =	vmul.f32 v54, v5;
	v53 =	vld [tilespmem:s25+$0x5000]  }
0xe6: {  	v11 =	vadd.f32 v39, v11;
	v8 =	vadd.f32 v47, v8;
	v39 =	vmul.f32 v56, v5;
	v47 =	vld [tilespmem:s25+$0x4510]  }
0xe7: {  	v15 =	vadd.f32 v37, v15;
	v13 =	vadd.f32 v38, v13;
	v37 =	vmul.f32 v59, v9;
	v38 =	vld [tilespmem:s25+$0x5010]  }
0xe8: {  	v11 =	vadd.f32 v40, v11;
	v8 =	vadd.f32 v41, v8;
	v40 =	vmul.f32 v46, v9;
	v41 =	vld [tilespmem:s25+$0x5B10]  }
0xe9: {  	v15 =	vadd.f32 v48, v15;
	v13 =	vadd.f32 v49, v13;
	v46 =	vmul.f32 v55, v9;
	v48 =	vld [tilespmem:s25+$0x6610]  }
0xea: {  	v11 =	vadd.f32 v51, v11;
	v8 =	vadd.f32 v52, v8;
	v49 =	vmul.f32 v53, v9;
	v51 =	vld [tilespmem:s25+$0x5B00]  }
0xeb: {  	v22 =	vadd.f32 v37, v22;
	v20 =	vadd.f32 v40, v20;
	v40 =	vmul.f32 v47, v5;
	v47 =	vld [tilespmem:s25+$0x6600]  }
0xec: {  	v19 =	vadd.f32 v46, v19;
	v17 =	vadd.f32 v49, v17;
	v38 =	vmul.f32 v38, v5;
	v46 =	vld [tilespmem:s25+$0x7100]  }
0xed: {  	v22 =	vadd.f32 v50, v22;
	v20 =	vadd.f32 v39, v20;
	v37 =	vmul.f32 v41, v5;
	v41 =	vld [tilespmem:s25+$0x7C00]  }
0xee: {  	v19 =	vadd.f32 v40, v19;
	v17 =	vadd.f32 v38, v17;
	v38 =	vmul.f32 v48, v5;
	v40 =	vld [tilespmem:s25+$0x7110]  }
0xef: {  	v22 =	vadd.f32 v42, v22;
	v20 =	vadd.f32 v43, v20;
	v42 =	vmul.f32 v51, v9;
	v43 =	vld [tilespmem:s25+$0x7C10]  }
.Ltmp0:
0xf0: {  	v19 =	vadd.f32 v44, v19;
	v17 =	vadd.f32 v45, v17;
	v44 =	vmul.f32 v47, v9;
	v39 =	vld [tilespmem:s25+$0x8710];
	(pc) =	sbr.rel @p1 .LBB2_2-.Ltmp0, $4  }
0xf1: {  	v22 =	vadd.f32 v35, v22;
	v20 =	vadd.f32 v36, v20;
	v45 =	vmul.f32 v46, v9;
	v35 =	vld [tilespmem:s25+$0x9210]  }
0xf2: {  	v19 =	vadd.f32 v33, v19;
	v17 =	vadd.f32 v34, v17;
	v41 =	vmul.f32 v41, v9;
	v33 =	vld [tilespmem:s25+$0x8700]  }
0xf3: {  	v34 =	vadd.f32 v42, v25;
	v36 =	vadd.f32 v44, v26;
	v26 =	vmul.f32 v40, v5;
	v25 =	vld [tilespmem:s25+$0x9200]  }
0xf4: {  	s26 =	sadd.s32 $0x100, s26;
	v40 =	vadd.f32 v45, v27;
	v28 =	vadd.f32 v41, v28;
	v41 =	vmul.f32 v43, v5;
	v27 =	vld [tilespmem:s25+$0x9D00]  }
0xf5: {  	v34 =	vadd.f32 v37, v34;
	v36 =	vadd.f32 v38, v36  }
0xf6: {  	(xrf2) =	vadd.scan.msk.f32 $0xffff, v15;
	v60 =	vld [tilespmem:s25+$0x9D10];
	v26 =	vadd.f32 v26, v40;
	v28 =	vadd.f32 v41, v28  }
0xf7: {  	v59 =	vmul.f32 v39, v5;
	v61 =	vld [tilespmem:s25+$0xA800];
	(xrf2) =	vadd.scan.msk.f32 $0xffff, v13;
	v32 =	vadd.f32 v32, v34;
	v31 =	vadd.f32 v31, v36  }
0xf8: {  	v63 =	vld [tilespmem:s25+$0x9D20];
	v33 =	vmul.f32 v33, v9;
	(xrf2) =	vadd.scan.msk.f32 $0xffff, v11;
	v34 =	vmul.f32 v35, v5;
	v26 =	vadd.f32 v30, v26  }
0xf9: {  	v35 =	vld [tilespmem:s25+$0x9D30];
	v62 =	vadd.f32 v29, v28;
	v25 =	vmul.f32 v25, v9;
	(xrf2) =	vadd.scan.msk.f32 $0xffff, v8;
	v14 =	vadd.f32 v14, v32  }
0xfa: {  	v32 =	vld [tilespmem:s25+$0xA810];
	v12 =	vadd.f32 v12, v31;
	v27 =	vmul.f32 v27, v9;
	v6 =	vadd.f32 v33, v6;
	(xrf2) =	vadd.scan.msk.f32 $0xffff, v22  }
0xfb: {  	v36 =	vld [tilespmem:s25+$0xA820];
	v10 =	vadd.f32 v10, v26;
	v24 =	vadd.f32 v25, v24;
	(xrf2) =	vadd.scan.msk.f32 $0xffff, v20;
	v37 =	vmul.f32 v60, v5  }
0xfc: {  	v40 =	vld [tilespmem:s25+$0xA830];
	v7 =	vadd.f32 v7, v62;
	v38 =	vmul.f32 v61, v9;
	v23 =	vadd.f32 v27, v23;
	(xrf2) =	vadd.scan.msk.f32 $0xffff, v19  }
0xfd: {  	v6 =	vadd.f32 v59, v6;
	v39 =	vadd.f32 v34, v24  }
0xfe: {  	v41 =	vmul.f32 v63, v2;
	(xrf2) =	vadd.scan.msk.f32 $0xffff, v17;
	v9 =	vadd.f32 v38, v21;
	v42 =	vadd.f32 v37, v23  }
0xff: {  	v45 =	vmul.f32 v35, v1;
	v6 =	vadd.f32 v18, v6;
	(xrf2) =	vadd.scan.msk.f32 $0xffff, v14;
	v43 =	vmul.f32 v32, v5  }
0x100: {  	v2 =	vmul.f32 v36, v2;
	v44 =	vadd.f32 v16, v39;
	(xrf2) =	vadd.scan.msk.f32 $0xffff, v12;
	v46 =	vadd.f32 v41, v42;
	v47, _, _ =	vpop (xrf2)  }
0x101: {  	v1 =	vmul.f32 v40, v1;
	v4 =	vadd.f32 v4, v6;
	(xrf2) =	vadd.scan.msk.f32 $0xffff, v10;
	v5 =	vadd.f32 v43, v9;
	v48, _, _ =	vpop (xrf2)  }
0x102: {  	v3 =	vadd.f32 v3, v44;
	(xrf2) =	vadd.scan.msk.f32 $0xffff, v7;
	v6 =	vbroadcast v47, $0xF;
	v8 =	vbroadcast v48, $0xF;
	v50, _, _ =	vpop (xrf2)  }
0x103: {  	v49 =	vadd.f32 v45, v46;
	(xrf2) =	vadd.scan.msk.f32 $0xffff, v4;
	v2 =	vadd.f32 v2, v5;
	v51 =	vbroadcast v50, $0xF;
	v52, _, _ =	vpop (xrf2)  }
0x104: {  	(xrf2) =	vadd.scan.msk.f32 $0xffff, v3;
	v3 =	vsel vm1, v6, v8;
	v5 =	vbroadcast v52, $0xF;
	v53, _, _ =	vpop (xrf2)  }
0x105: {  	(xrf2) =	vadd.scan.msk.f32 $0xffff, v49;
	v54, _, _ =	vpop (xrf2);
	v1 =	vadd.f32 v1, v2;
	v2 =	vsel vm2, v3, v51;
	v3 =	vbroadcast v53, $0xF  }
0x106: {  	v55, _, _ =	vpop (xrf2);
	v2 =	vsel vm3, v2, v5  }
0x107: {  	v56 =	vbroadcast v54, $0xF;
	v2 =	vsel vm4, v2, v3;
	v3 =	vbroadcast v55, $0xF  }
0x108: {  	v57, _, _ =	vpop (xrf2)  }
0x109: {  	(xrf2) =	vadd.scan.msk.f32 $0xffff, v1;
	v2 =	vsel vm5, v2, v56;
	v4 =	vbroadcast v57, $0xF;
	v1, _, _ =	vpop (xrf2)  }
0x10a: {  	v2 =	vsel vm6, v2, v3;
	v58, _, _ =	vpop (xrf2);
	v1 =	vbroadcast v1, $0xF  }
0x10b: {  	v2 =	vsel vm7, v2, v4;
	v3, _, _ =	vpop (xrf2);
	v59 =	vbroadcast v58, $0xF  }
0x10c: {  	v60, _, _ =	vpop (xrf2);
	v1 =	vsel vm8, v2, v1;
	v2 =	vbroadcast v3, $0xF  }
0x10d: {  	v3, _, _ =	vpop (xrf2);
	v1 =	vsel vm9, v1, v59;
	v61 =	vbroadcast v60, $0xF  }
0x10e: {  	v62, _, _ =	vpop (xrf2);
	v1 =	vsel vm10, v1, v2;
	v2 =	vbroadcast v3, $0xF  }
0x10f: {  	v3, _, _ =	vpop (xrf2);
	v1 =	vsel vm11, v1, v61  }
0x110: {  	v1 =	vsel vm12, v1, v2;
	v2 =	vbroadcast v3, $0xF  }
0x111: {  	v63 =	vbroadcast v62, $0xF;
	_ =	sdelay $0x1  }
0x112: {  	v1 =	vsel vm13, v1, v63  }
0x113: {  	v1 =	vsel vm14, v1, v2;
	v2, _, _ =	vpop (xrf2)  }
0x114: {  	v1 =	vsel vm15, v1, v2  }
0x115: {  	[tilespmem:$0xBE10] =	vst v1  }
0x116: {  	[bflag:$0x0] =	sbarrier.arrive $0xFFFF  }
0x117: {  	[spmem:s1] =	stream.indirect_vreg.scatter.add.f32 [tilespmem:s23], [sflag:$0x2], $0x1, v0, vm0, $0xb8;
	[tilespmem:$0xBE38] =	vst v63  }
0x118: {  	_ =	swait.ge [sflag:s9], $0x10  }
0x119: {  	[sflag:s9] =	ssyncset.done $0x0  }
0x11a: {  	[sflag:s9] =	ssyncadd.s32 $0xFFFFFFF0  }
0x11b: {  	s26 =	simm.s32 @!p0 $0x2;
	s25 =	simm.s32 @!p0 $0xBE20;
	[bflag:$0x0] =	sbarrier.arrive $0xFFFF  }
0x11c: {  	[tilespmem:s25], [sflag:$0x2] =	stream.linear.gather @!p0 [spmem:s1], $0x10, $0x38;
	[tilespmem:$0xBE38] =	vst v63  }
0x11d: {  	_ =	swait.ge @!p0 [sflag:s26], $0x10  }
0x11e: {  	[sflag:s26] =	ssyncset.done @!p0 $0x0  }
0x11f: {  	[sflag:s26] =	ssyncadd.s32 @!p0 $0xFFFFFFF0  }
0x120: {  	v1 =	vld @!p0 [tilespmem:$0xBE20]  }
0x121: {  	v2 =	vld @!p0 [tilespmem:$0xBE00];
	_ =	sdelay $0x4  }
0x122: {  	v1 =	vadd.f32 @!p0 v2, v1;
	_ =	sdelay $0x1  }
0x123: {  	v1 =	vsub.f32 @!p0 $0.0e+00, v1;
	_ =	sdelay $0x1  }
0x124: {  	v1 =	vmul.f32 @!p0 $1.442695020e+00, v1;
	_ =	sdelay $0x1  }
0x125: {  	(erf) = vpow2.f32 @!p0 v1;
	_ =	sdelay $0x8  }
0x126: {  	v1 =	vpop @!p0 (erf)  }
0x127: {  	v1 =	vadd.f32 @!p0 $1.000000000e+00, v1;
	_ =	sdelay $0x1  }
0x128: {  	(erf) = vrcp.f32 @!p0 v1;
	_ =	sdelay $0x7  }
0x129: {  	s24 =	sadd.s32 $0x1, s24  }
0x12a: {  	p1 =	sne.s32 s24, s8;
	v1 =	vpop @!p0 (erf)  }
.Ltmp1:
0x12b: {  	s28 =	simm.s32 @!p0 $0x0;
	[tilespmem:$0xBE20] =	vst @!p0 v1;
	(pc) =	sbr.rel @p1 .LBB2_1-.Ltmp1, $4  }
0x12c: {  	[hbm4b:s7+s28] =	stream.linear.scatter @!p0 [tilespmem:s25], [sflag:$0x2], $0x10, $0x38;
	[tilespmem:$0xBE38] =	vst v63  }
0x12d: {  	_ =	swait.ge @!p0 [sflag:s26], $0x10  }
0x12e: {  	[sflag:s26] =	ssyncset.done @!p0 $0x0  }
0x12f: {  	[sflag:s26] =	ssyncadd.s32 @!p0 $0xFFFFFFF0  }
0x130: {  	_ =	sfence.sel $0x180000  }
0x131: {  	[bflag:$0x0] =	sbarrier.arrive $0xFFFF  }
0x132: {  	_ =	strace $0x90000047  }
0x133: {  	[bflag:$0x2] =	sbarrier.arrive $0xFFFF  }
0x134: {  	s0 =	rddreg [dreg:$0x3]  }
0x135: {  	s0 =	sadd.s32 @!p0 $0x100000, s0  }
0x136: {  	[sflag:s0] =	ssyncadd.tile.s32 @!p0 $0x1;
	_ =	shalt  }
.Lfunc_end2:
_tile_overlayer_lowered:
.L_overlay_start_2:
0x137: {  	(tag) =	ssettag $0x2  }
0x138: {  	s0 =	rddreg [dreg:$0x0];
	s2 =	stileid.u32  }
0x139: {  	s1 =	rddreg [dreg:$0x1];
	p0 =	sne.s32 s2, $0x0  }
0x13a: {  	s3 =	rddreg [dreg:$0x2];
	[bflag:$0x3] =	sbarrier.arrive $0xFFFF;
	s2 =	simm.s32 @!p0 $0x1C02  }
0x13b: {  	[timem:s3], [sflag:s2] =	dma.local @!p0 [hbm:s0], s1  }
0x13c: {  	s0 =	simm.s32 @!p0 $0x2  }
0x13d: {  	_ =	swait.ge @!p0 [sflag:s0], s1  }
0x13e: {  	s1 =	ssub.s32 @!p0 $0x0, s1;
	[sflag:s0] =	ssyncset.done @!p0 $0x0  }
0x13f: {  	[sflag:s0] =	ssyncadd.s32 @!p0 s1  }
0x140: {  	[bflag:$0x3] =	sbarrier.arrive $0xFFFF  }
0x141: {  	_ =	shalt  }

</sc_bundles>
